<compile_context>
chip_gen: v7x
topology: tpu7x:2x2x1
jax: 0.10.2.dev20260603
libtpu: 0.0.44.dev20260713+nightly
codegen_flags: <defaults>
</compile_context>

<pallas_src>
import functools

import jax
import jax.numpy as jnp
from jax import lax
from jax.experimental import pallas as pl
from jax.experimental.pallas import tpu as pltpu
from jax.experimental.pallas import tpu_sc as plsc

_GATHER_WINDOW = 128
_TILE = 3200
_NBUF = 5
_RELAYOUT_ROWS = 5000


def _relayout_body(t_ref, o_ref):
    d = t_ref.shape[2]
    o_ref[:, 0:d] = t_ref[0]
    o_ref[:, d:2 * d] = t_ref[1]


def _tc_relayout(tab):
    v, d = tab.shape
    tab3 = tab.reshape(2, v // 2, d)
    grid = (v // 2) // _RELAYOUT_ROWS
    return pl.pallas_call(
        _relayout_body,
        grid=(grid,),
        in_specs=[pl.BlockSpec((2, _RELAYOUT_ROWS, d), lambda i: (0, i, 0))],
        out_specs=pl.BlockSpec((_RELAYOUT_ROWS, 2 * d), lambda i: (i, 0)),
        out_shape=jax.ShapeDtypeStruct((v // 2, 2 * d), jnp.float32),
        compiler_params=pltpu.CompilerParams(
            dimension_semantics=("parallel",)),
    )(tab3)


def _sc_gather(word_table, idx_flat):
    n = idx_flat.shape[0]
    d = word_table.shape[1]
    mesh = plsc.VectorSubcoreMesh(core_axis_name="c", subcore_axis_name="s")
    nunits = mesh.num_cores * mesh.num_subcores
    per_unit = n // nunits
    nwin = per_unit // _GATHER_WINDOW
    assert per_unit % _GATHER_WINDOW == 0 and nwin % _NBUF == 0

    @functools.partial(
        pl.kernel,
        out_type=jax.ShapeDtypeStruct((n, d), word_table.dtype),
        mesh=mesh,
        scratch_types=[
            pltpu.VMEM((per_unit,), jnp.int32),
            pltpu.VMEM((_NBUF, _GATHER_WINDOW, d), jnp.float32),
            pltpu.SemaphoreType.DMA,
            pltpu.SemaphoreType.DMA((_NBUF,)),
        ],
    )
    def gather_kernel(tab_hbm, i_hbm, o_hbm, idx_v, rows_v, isem, gsem):
        wid = jax.lax.axis_index("s") * mesh.num_cores + jax.lax.axis_index("c")
        base = wid * per_unit
        pltpu.async_copy(i_hbm.at[pl.ds(base, per_unit)], idx_v, isem).wait()
        for bb in range(_NBUF):
            pltpu.async_copy(
                tab_hbm.at[idx_v.at[pl.ds(bb * _GATHER_WINDOW, _GATHER_WINDOW)]],
                rows_v.at[bb], gsem.at[bb])

        @pl.loop(0, nwin, step=_NBUF)
        def _(w0):
            for bb in range(_NBUF):
                w = w0 + bb
                pltpu.make_async_copy(
                    tab_hbm.at[idx_v.at[pl.ds(0, _GATHER_WINDOW)]],
                    rows_v.at[bb], gsem.at[bb]).wait()
                pltpu.sync_copy(
                    rows_v.at[bb],
                    o_hbm.at[pl.ds(base + w * _GATHER_WINDOW, _GATHER_WINDOW)])

                @pl.when(w + _NBUF < nwin)
                def _():
                    pltpu.async_copy(
                        tab_hbm.at[idx_v.at[pl.ds((w + _NBUF) * _GATHER_WINDOW,
                                                  _GATHER_WINDOW)]],
                        rows_v.at[bb], gsem.at[bb])

    return gather_kernel(word_table, idx_flat)


def _fused_body(g_ref, oh_ref, w_ref, b_ref, pp_ref, ip_ref, gm_ref, bt_ref,
                o_ref):
    d = g_ref.shape[1] // 2
    w_w = w_ref[0:d, :]
    w_p = w_ref[d:2 * d, :]
    w_i = w_ref[2 * d:3 * d, :]
    pw = jnp.dot(pp_ref[...], w_p, preferred_element_type=jnp.float32)
    iw = jnp.dot(ip_ref[...], w_i, preferred_element_type=jnp.float32)
    row = lax.broadcasted_iota(jnp.int32, (32, 8), 0)
    col = lax.broadcasted_iota(jnp.int32, (32, 8), 1)
    cid16 = jnp.bitwise_and(row, 15)
    sel_p = (col == cid16 // 5).astype(jnp.float32)
    sel_i = (col == cid16 % 5).astype(jnp.float32)
    c32 = (jnp.dot(sel_p, pw, preferred_element_type=jnp.float32)
           + jnp.dot(sel_i, iw, preferred_element_type=jnp.float32)
           + b_ref[...])
    ppar = (lax.broadcasted_iota(jnp.int32, (32, d), 0) >= 16).astype(
        jnp.float32)
    oh = oh_ref[...].astype(jnp.float32)
    par64 = jnp.dot(oh, ppar, preferred_element_type=jnp.float32)
    gl = g_ref[:, 0:d]
    gr = g_ref[:, d:2 * d]
    sel = gl + par64 * (gr - gl)
    h = jnp.dot(sel, w_w, preferred_element_type=jnp.float32)
    h = h + jnp.dot(oh, c32, preferred_element_type=jnp.float32)
    h = 0.5 * h * (1.0 + lax.erf(h * 0.7071067811865476))
    mean = jnp.mean(h, axis=-1, keepdims=True)
    cent = h - mean
    var = jnp.mean(cent * cent, axis=-1, keepdims=True)
    res = cent * lax.rsqrt(var + 1e-5) * gm_ref[...] + bt_ref[...]
    o_ref[...] = res.reshape(o_ref.shape)


def _tc_fused(gathered, oh, W, b2, pol_pad, int_pad, gamma2, beta2, bsz, seq):
    n, d2 = gathered.shape
    d = d2 // 2
    grid = n // _TILE
    brows = _TILE // seq
    return pl.pallas_call(
        _fused_body,
        grid=(grid,),
        in_specs=[
            pl.BlockSpec((_TILE, d2), lambda i: (i, 0)),
            pl.BlockSpec((_TILE, 32), lambda i: (i, 0)),
            pl.BlockSpec((3 * d, d), lambda i: (0, 0)),
            pl.BlockSpec((1, d), lambda i: (0, 0)),
            pl.BlockSpec((8, d), lambda i: (0, 0)),
            pl.BlockSpec((8, d), lambda i: (0, 0)),
            pl.BlockSpec((1, d), lambda i: (0, 0)),
            pl.BlockSpec((1, d), lambda i: (0, 0)),
        ],
        out_specs=pl.BlockSpec((brows, seq, d), lambda i: (i, 0, 0)),
        out_shape=jax.ShapeDtypeStruct((bsz, seq, d), jnp.float32),
        compiler_params=pltpu.CompilerParams(
            dimension_semantics=("parallel",)),
    )(gathered, oh, W, b2, pol_pad, int_pad, gamma2, beta2)


def kernel(input_ids, polarity_ids, intensity_ids, word_table, polarity_table,
           intensity_table, W, b, gamma, beta):
    bsz, seq = input_ids.shape
    d = word_table.shape[1]
    v = word_table.shape[0]
    idx_flat = input_ids.reshape(-1).astype(jnp.int32)
    par = (idx_flat >= v // 2).astype(jnp.int32)
    pair_idx = idx_flat - par * (v // 2)
    cid = (polarity_ids.astype(jnp.int32) * 5
           + intensity_ids.astype(jnp.int32)).reshape(-1)
    ecid = par * 16 + cid
    oh = jax.nn.one_hot(ecid, 32, dtype=jnp.bfloat16)
    pol_pad = jnp.zeros((8, d), jnp.float32).at[:polarity_table.shape[0]].set(
        polarity_table)
    int_pad = jnp.zeros((8, d), jnp.float32).at[:intensity_table.shape[0]].set(
        intensity_table)
    table2 = _tc_relayout(word_table)
    gathered = _sc_gather(table2, pair_idx)
    return _tc_fused(gathered, oh, W, b.reshape(1, d), pol_pad, int_pad,
                     gamma.reshape(1, d), beta.reshape(1, d), bsz, seq)

# --- scband reference (transcript-rebuilt; emitter-appended) ---
"""Pipeline reference for scband-emotional-context-encoder-90881507983983 (READ-ONLY COPY).

The authoritative reference and input builder live on the scoring server;
editing this copy changes nothing except your own understanding.
"""

import jax, jax.numpy as jnp
import numpy as np

B, S, V, D = 1024, 200, 1000000, 64

def setup_inputs(seed: int = 0) -> dict:
    key = jax.random.key(seed)
    ks = jax.random.split(key, 10)
    input_ids = jax.random.randint(ks[0], (B, S), 0, V)
    polarity_ids = jax.random.randint(ks[1], (B, S), 0, 3)
    intensity_ids = jax.random.randint(ks[2], (B, S), 0, 5)
    word_table = jax.random.normal(ks[3], (V, D), dtype=jnp.float32) * 0.02
    word_table = word_table.at[0].set(0.0)  # padding_idx=0
    polarity_table = jax.random.normal(ks[4], (3, D), dtype=jnp.float32) * 0.02
    intensity_table = jax.random.normal(ks[5], (5, D), dtype=jnp.float32) * 0.02
    W = jax.random.normal(ks[6], (3 * D, D), dtype=jnp.float32) * (1.0 / np.sqrt(3 * D))
    b = jnp.zeros((D,), dtype=jnp.float32)
    gamma = jnp.ones((D,), dtype=jnp.float32)
    beta = jnp.zeros((D,), dtype=jnp.float32)
    return {
        'input_ids': input_ids,
        'polarity_ids': polarity_ids,
        'intensity_ids': intensity_ids,
        'word_table': word_table,
        'polarity_table': polarity_table,
        'intensity_table': intensity_table,
        'W': W,
        'b': b,
        'gamma': gamma,
        'beta': beta,
    }

def reference(input_ids, polarity_ids, intensity_ids, word_table, polarity_table, intensity_table, W, b, gamma, beta):
    # Embedding gathers (SparseCore-friendly)
    word_embeds = jnp.take(word_table, input_ids, axis=0)
    polarity_embeds = jnp.take(polarity_table, polarity_ids, axis=0)
    intensity_embeds = jnp.take(intensity_table, intensity_ids, axis=0)
    combined = jnp.concatenate([word_embeds, polarity_embeds, intensity_embeds], axis=-1)
    # context_fusion: Linear -> GELU (exact erf, torch default) -> LayerNorm
    h = combined @ W + b
    h = jax.nn.gelu(h, approximate=False)
    mean = jnp.mean(h, axis=-1, keepdims=True)
    var = jnp.var(h, axis=-1, keepdims=True)  # biased variance, torch LayerNorm convention
    out = (h - mean) / jnp.sqrt(var + 1e-5) * gamma + beta
    return out

if __name__ == "__main__":
    import jax
    _d = setup_inputs()
    print(jax.jit(kernel)(*tuple(_d.values())))

</pallas_src>

<mosaic_0001>
#map = affine_map<(d0, d1) -> (0, 0)>
#map1 = affine_map<(d0, d1) -> (0)>
module attributes {stable_mosaic.version = 14 : i64} {
  func.func @gather_kernel(%arg0: i32, %arg1: i32, %arg2: memref<500000x128xf32, #tpu.memory_space<hbm>>, %arg3: memref<204800xi32, #tpu.memory_space<hbm>>, %arg4: memref<204800x128xf32, #tpu.memory_space<hbm>>, %arg5: memref<6400xi32, #tpu.memory_space<vmem>>, %arg6: memref<5x128x128xf32, #tpu.memory_space<vmem>>, %arg7: memref<!tpu.dma_semaphore, #tpu.memory_space<semaphore_mem>>, %arg8: memref<5x!tpu.dma_semaphore, #tpu.memory_space<semaphore_mem>>) attributes {dimension_semantics = [#tpu.dimension_semantics<core_parallel>, #tpu.dimension_semantics<subcore_parallel>], iteration_bounds = array<i64: 2, 16>, scalar_prefetch = 0 : i64, scratch_operands = 4 : i64, tpu.core_type = #tpu.core_type<sc_vector_subcore>, window_params = [{transform_indices = #map}, {transform_indices = #map1}, {transform_indices = #map}]} {
    %mul3A = arith.constant 2 : i32
    %mul3A_0 = arith.muli %arg1, %mul3A : i32
    %add3A = arith.addi %mul3A_0, %arg0 : i32
    %mul3A_1 = arith.constant 6400 : i32
    %mul3A_2 = arith.muli %add3A, %mul3A_1 : i32
    %dma_start3A = tpu.memref_slice %arg3[%mul3A_2] : memref<204800xi32, #tpu.memory_space<hbm>> -> memref<6400xi32, #tpu.memory_space<hbm>>
    %dma_start3A_3 = tpu.memref_slice %arg3[%mul3A_2] : memref<204800xi32, #tpu.memory_space<hbm>> -> memref<6400xi32, #tpu.memory_space<hbm>>
    tpu.enqueue_dma source(%dma_start3A_3 : memref<6400xi32, #tpu.memory_space<hbm>>) target(%arg5 : memref<6400xi32, #tpu.memory_space<vmem>>) target_semaphore(%arg7 : memref<!tpu.dma_semaphore, #tpu.memory_space<semaphore_mem>>)
    %dma_wait3A = tpu.memref_slice %arg3[%mul3A_2] : memref<204800xi32, #tpu.memory_space<hbm>> -> memref<6400xi32, #tpu.memory_space<hbm>>
    %dma_wait3A_4 = tpu.memref_slice %arg3[%mul3A_2] : memref<204800xi32, #tpu.memory_space<hbm>> -> memref<6400xi32, #tpu.memory_space<hbm>>
    tpu.wait_dma2 semaphore(%arg7 : memref<!tpu.dma_semaphore, #tpu.memory_space<semaphore_mem>>) src(%dma_wait3A_4 : memref<6400xi32, #tpu.memory_space<hbm>>) dst(%arg5 : memref<6400xi32, #tpu.memory_space<vmem>>)
    %dma_start3A_5 = arith.constant 0 : i32
    %dma_start3A_6 = arith.constant 0 : i32
    %dma_start3A_7 = arith.constant 0 : i32
    %dma_start3A_8 = arith.constant 0 : i32
    %dma_start3A_9 = tpu.memref_slice %arg6[%dma_start3A_5, %dma_start3A_7, %dma_start3A_8] : memref<5x128x128xf32, #tpu.memory_space<vmem>> -> memref<1x128x128xf32, #tpu.memory_space<vmem>>
    %dma_start3A_10 = tpu.memref_squeeze %dma_start3A_9 : memref<1x128x128xf32, #tpu.memory_space<vmem>> -> memref<128x128xf32, #tpu.memory_space<vmem>>
    %dma_start3A_11 = arith.constant 0 : i32
    %dma_start3A_12 = tpu.memref_slice %arg5[%dma_start3A_11] : memref<6400xi32, #tpu.memory_space<vmem>> -> memref<128xi32, #tpu.memory_space<vmem>>
    %dma_start3A_13 = arith.constant 0 : i32
    %dma_start3A_14 = arith.constant 0 : i32
    %dma_start3A_15 = tpu.memref_slice %arg2[%dma_start3A_13, %dma_start3A_14] : memref<500000x128xf32, #tpu.memory_space<hbm>> -> memref<500000x128xf32, #tpu.memory_space<hbm>>
    %dma_start3A_16 = tpu.memref_slice %arg8[%dma_start3A_6] : memref<5x!tpu.dma_semaphore, #tpu.memory_space<semaphore_mem>> -> memref<1x!tpu.dma_semaphore, #tpu.memory_space<semaphore_mem>>
    %dma_start3A_17 = tpu.memref_squeeze %dma_start3A_16 : memref<1x!tpu.dma_semaphore, #tpu.memory_space<semaphore_mem>> -> memref<!tpu.dma_semaphore, #tpu.memory_space<semaphore_mem>>
    tpu.enqueue_indirect_dma source(%dma_start3A_15 : memref<500000x128xf32, #tpu.memory_space<hbm>>) target(%dma_start3A_10 : memref<128x128xf32, #tpu.memory_space<vmem>>) offsets(%dma_start3A_12 : memref<128xi32, #tpu.memory_space<vmem>>) semaphore(%dma_start3A_17 : memref<!tpu.dma_semaphore, #tpu.memory_space<semaphore_mem>>)
    %dma_start3A_18 = arith.constant 1 : i32
    %dma_start3A_19 = arith.constant 1 : i32
    %dma_start3A_20 = arith.constant 0 : i32
    %dma_start3A_21 = arith.constant 0 : i32
    %dma_start3A_22 = tpu.memref_slice %arg6[%dma_start3A_18, %dma_start3A_20, %dma_start3A_21] : memref<5x128x128xf32, #tpu.memory_space<vmem>> -> memref<1x128x128xf32, #tpu.memory_space<vmem>>
    %dma_start3A_23 = tpu.memref_squeeze %dma_start3A_22 : memref<1x128x128xf32, #tpu.memory_space<vmem>> -> memref<128x128xf32, #tpu.memory_space<vmem>>
    %dma_start3A_24 = arith.constant 128 : i32
    %dma_start3A_25 = tpu.memref_slice %arg5[%dma_start3A_24] : memref<6400xi32, #tpu.memory_space<vmem>> -> memref<128xi32, #tpu.memory_space<vmem>>
    %dma_start3A_26 = arith.constant 0 : i32
    %dma_start3A_27 = arith.constant 0 : i32
    %dma_start3A_28 = tpu.memref_slice %arg2[%dma_start3A_26, %dma_start3A_27] : memref<500000x128xf32, #tpu.memory_space<hbm>> -> memref<500000x128xf32, #tpu.memory_space<hbm>>
    %dma_start3A_29 = tpu.memref_slice %arg8[%dma_start3A_19] : memref<5x!tpu.dma_semaphore, #tpu.memory_space<semaphore_mem>> -> memref<1x!tpu.dma_semaphore, #tpu.memory_space<semaphore_mem>>
    %dma_start3A_30 = tpu.memref_squeeze %dma_start3A_29 : memref<1x!tpu.dma_semaphore, #tpu.memory_space<semaphore_mem>> -> memref<!tpu.dma_semaphore, #tpu.memory_space<semaphore_mem>>
    tpu.enqueue_indirect_dma source(%dma_start3A_28 : memref<500000x128xf32, #tpu.memory_space<hbm>>) target(%dma_start3A_23 : memref<128x128xf32, #tpu.memory_space<vmem>>) offsets(%dma_start3A_25 : memref<128xi32, #tpu.memory_space<vmem>>) semaphore(%dma_start3A_30 : memref<!tpu.dma_semaphore, #tpu.memory_space<semaphore_mem>>)
    %dma_start3A_31 = arith.constant 2 : i32
    %dma_start3A_32 = arith.constant 2 : i32
    %dma_start3A_33 = arith.constant 0 : i32
    %dma_start3A_34 = arith.constant 0 : i32
    %dma_start3A_35 = tpu.memref_slice %arg6[%dma_start3A_31, %dma_start3A_33, %dma_start3A_34] : memref<5x128x128xf32, #tpu.memory_space<vmem>> -> memref<1x128x128xf32, #tpu.memory_space<vmem>>
    %dma_start3A_36 = tpu.memref_squeeze %dma_start3A_35 : memref<1x128x128xf32, #tpu.memory_space<vmem>> -> memref<128x128xf32, #tpu.memory_space<vmem>>
    %dma_start3A_37 = arith.constant 256 : i32
    %dma_start3A_38 = tpu.memref_slice %arg5[%dma_start3A_37] : memref<6400xi32, #tpu.memory_space<vmem>> -> memref<128xi32, #tpu.memory_space<vmem>>
    %dma_start3A_39 = arith.constant 0 : i32
    %dma_start3A_40 = arith.constant 0 : i32
    %dma_start3A_41 = tpu.memref_slice %arg2[%dma_start3A_39, %dma_start3A_40] : memref<500000x128xf32, #tpu.memory_space<hbm>> -> memref<500000x128xf32, #tpu.memory_space<hbm>>
    %dma_start3A_42 = tpu.memref_slice %arg8[%dma_start3A_32] : memref<5x!tpu.dma_semaphore, #tpu.memory_space<semaphore_mem>> -> memref<1x!tpu.dma_semaphore, #tpu.memory_space<semaphore_mem>>
    %dma_start3A_43 = tpu.memref_squeeze %dma_start3A_42 : memref<1x!tpu.dma_semaphore, #tpu.memory_space<semaphore_mem>> -> memref<!tpu.dma_semaphore, #tpu.memory_space<semaphore_mem>>
    tpu.enqueue_indirect_dma source(%dma_start3A_41 : memref<500000x128xf32, #tpu.memory_space<hbm>>) target(%dma_start3A_36 : memref<128x128xf32, #tpu.memory_space<vmem>>) offsets(%dma_start3A_38 : memref<128xi32, #tpu.memory_space<vmem>>) semaphore(%dma_start3A_43 : memref<!tpu.dma_semaphore, #tpu.memory_space<semaphore_mem>>)
    %dma_start3A_44 = arith.constant 3 : i32
    %dma_start3A_45 = arith.constant 3 : i32
    %dma_start3A_46 = arith.constant 0 : i32
    %dma_start3A_47 = arith.constant 0 : i32
    %dma_start3A_48 = tpu.memref_slice %arg6[%dma_start3A_44, %dma_start3A_46, %dma_start3A_47] : memref<5x128x128xf32, #tpu.memory_space<vmem>> -> memref<1x128x128xf32, #tpu.memory_space<vmem>>
    %dma_start3A_49 = tpu.memref_squeeze %dma_start3A_48 : memref<1x128x128xf32, #tpu.memory_space<vmem>> -> memref<128x128xf32, #tpu.memory_space<vmem>>
    %dma_start3A_50 = arith.constant 384 : i32
    %dma_start3A_51 = tpu.memref_slice %arg5[%dma_start3A_50] : memref<6400xi32, #tpu.memory_space<vmem>> -> memref<128xi32, #tpu.memory_space<vmem>>
    %dma_start3A_52 = arith.constant 0 : i32
    %dma_start3A_53 = arith.constant 0 : i32
    %dma_start3A_54 = tpu.memref_slice %arg2[%dma_start3A_52, %dma_start3A_53] : memref<500000x128xf32, #tpu.memory_space<hbm>> -> memref<500000x128xf32, #tpu.memory_space<hbm>>
    %dma_start3A_55 = tpu.memref_slice %arg8[%dma_start3A_45] : memref<5x!tpu.dma_semaphore, #tpu.memory_space<semaphore_mem>> -> memref<1x!tpu.dma_semaphore, #tpu.memory_space<semaphore_mem>>
    %dma_start3A_56 = tpu.memref_squeeze %dma_start3A_55 : memref<1x!tpu.dma_semaphore, #tpu.memory_space<semaphore_mem>> -> memref<!tpu.dma_semaphore, #tpu.memory_space<semaphore_mem>>
    tpu.enqueue_indirect_dma source(%dma_start3A_54 : memref<500000x128xf32, #tpu.memory_space<hbm>>) target(%dma_start3A_49 : memref<128x128xf32, #tpu.memory_space<vmem>>) offsets(%dma_start3A_51 : memref<128xi32, #tpu.memory_space<vmem>>) semaphore(%dma_start3A_56 : memref<!tpu.dma_semaphore, #tpu.memory_space<semaphore_mem>>)
    %dma_start3A_57 = arith.constant 4 : i32
    %dma_start3A_58 = arith.constant 4 : i32
    %dma_start3A_59 = arith.constant 0 : i32
    %dma_start3A_60 = arith.constant 0 : i32
    %dma_start3A_61 = tpu.memref_slice %arg6[%dma_start3A_57, %dma_start3A_59, %dma_start3A_60] : memref<5x128x128xf32, #tpu.memory_space<vmem>> -> memref<1x128x128xf32, #tpu.memory_space<vmem>>
    %dma_start3A_62 = tpu.memref_squeeze %dma_start3A_61 : memref<1x128x128xf32, #tpu.memory_space<vmem>> -> memref<128x128xf32, #tpu.memory_space<vmem>>
    %dma_start3A_63 = arith.constant 512 : i32
    %dma_start3A_64 = tpu.memref_slice %arg5[%dma_start3A_63] : memref<6400xi32, #tpu.memory_space<vmem>> -> memref<128xi32, #tpu.memory_space<vmem>>
    %dma_start3A_65 = arith.constant 0 : i32
    %dma_start3A_66 = arith.constant 0 : i32
    %dma_start3A_67 = tpu.memref_slice %arg2[%dma_start3A_65, %dma_start3A_66] : memref<500000x128xf32, #tpu.memory_space<hbm>> -> memref<500000x128xf32, #tpu.memory_space<hbm>>
    %dma_start3A_68 = tpu.memref_slice %arg8[%dma_start3A_58] : memref<5x!tpu.dma_semaphore, #tpu.memory_space<semaphore_mem>> -> memref<1x!tpu.dma_semaphore, #tpu.memory_space<semaphore_mem>>
    %dma_start3A_69 = tpu.memref_squeeze %dma_start3A_68 : memref<1x!tpu.dma_semaphore, #tpu.memory_space<semaphore_mem>> -> memref<!tpu.dma_semaphore, #tpu.memory_space<semaphore_mem>>
    tpu.enqueue_indirect_dma source(%dma_start3A_67 : memref<500000x128xf32, #tpu.memory_space<hbm>>) target(%dma_start3A_62 : memref<128x128xf32, #tpu.memory_space<vmem>>) offsets(%dma_start3A_64 : memref<128xi32, #tpu.memory_space<vmem>>) semaphore(%dma_start3A_69 : memref<!tpu.dma_semaphore, #tpu.memory_space<semaphore_mem>>)
    %scan3A = arith.constant 0 : i32
    %scan3A_70 = arith.constant 10 : i32
    %scan3A_71 = arith.addi %scan3A, %scan3A_70 : i32
    %scan3A_72 = arith.constant 1 : i32
    scf.for %scan3A_74 = %scan3A to %scan3A_71 step %scan3A_72  : i32 {
      %mul3A_75 = arith.constant 5 : i32
      %mul3A_76 = arith.muli %scan3A_74, %mul3A_75 : i32
      %add3A_77 = arith.constant 0 : i32
      %add3A_78 = arith.addi %add3A_77, %mul3A_76 : i32
      %add3A_79 = arith.constant 0 : i32
      %add3A_80 = arith.addi %add3A_78, %add3A_79 : i32
      %dma_wait3A_81 = arith.constant 0 : i32
      %dma_wait3A_82 = arith.constant 0 : i32
      %dma_wait3A_83 = arith.constant 0 : i32
      %dma_wait3A_84 = arith.constant 0 : i32
      %dma_wait3A_85 = tpu.memref_slice %arg6[%dma_wait3A_81, %dma_wait3A_83, %dma_wait3A_84] : memref<5x128x128xf32, #tpu.memory_space<vmem>> -> memref<1x128x128xf32, #tpu.memory_space<vmem>>
      %dma_wait3A_86 = tpu.memref_squeeze %dma_wait3A_85 : memref<1x128x128xf32, #tpu.memory_space<vmem>> -> memref<128x128xf32, #tpu.memory_space<vmem>>
      %dma_wait3A_87 = arith.constant 0 : i32
      %dma_wait3A_88 = tpu.memref_slice %arg5[%dma_wait3A_87] : memref<6400xi32, #tpu.memory_space<vmem>> -> memref<128xi32, #tpu.memory_space<vmem>>
      %dma_wait3A_89 = arith.constant 0 : i32
      %dma_wait3A_90 = arith.constant 0 : i32
      %dma_wait3A_91 = tpu.memref_slice %arg2[%dma_wait3A_89, %dma_wait3A_90] : memref<500000x128xf32, #tpu.memory_space<hbm>> -> memref<500000x128xf32, #tpu.memory_space<hbm>>
      %dma_wait3A_92 = tpu.memref_slice %arg8[%dma_wait3A_82] : memref<5x!tpu.dma_semaphore, #tpu.memory_space<semaphore_mem>> -> memref<1x!tpu.dma_semaphore, #tpu.memory_space<semaphore_mem>>
      %dma_wait3A_93 = tpu.memref_squeeze %dma_wait3A_92 : memref<1x!tpu.dma_semaphore, #tpu.memory_space<semaphore_mem>> -> memref<!tpu.dma_semaphore, #tpu.memory_space<semaphore_mem>>
      tpu.wait_indirect_dma semaphore(%dma_wait3A_93 : memref<!tpu.dma_semaphore, #tpu.memory_space<semaphore_mem>>) src(%dma_wait3A_91 : memref<500000x128xf32, #tpu.memory_space<hbm>>) dst(%dma_wait3A_86 : memref<128x128xf32, #tpu.memory_space<vmem>>)
      %mul3A_94 = arith.constant 128 : i32
      %mul3A_95 = arith.muli %add3A_80, %mul3A_94 : i32
      %add3A_96 = arith.addi %mul3A_2, %mul3A_95 : i32
      %run_scoped3A = arith.constant 0 : i32
      "tpu.region"() ({
        %run_scoped3A_205 = tpu.sem_alloc : memref<!tpu.dma_semaphore, #tpu.memory_space<semaphore_mem>>
        %dma_start3A_206 = arith.constant 0 : i32
        %dma_start3A_207 = arith.constant 0 : i32
        %dma_start3A_208 = tpu.memref_slice %arg6[%run_scoped3A, %dma_start3A_206, %dma_start3A_207] : memref<5x128x128xf32, #tpu.memory_space<vmem>> -> memref<1x128x128xf32, #tpu.memory_space<vmem>>
        %dma_start3A_209 = tpu.memref_squeeze %dma_start3A_208 : memref<1x128x128xf32, #tpu.memory_space<vmem>> -> memref<128x128xf32, #tpu.memory_space<vmem>>
        %dma_start3A_210 = arith.constant 0 : i32
        %dma_start3A_211 = tpu.memref_slice %arg4[%add3A_96, %dma_start3A_210] : memref<204800x128xf32, #tpu.memory_space<hbm>> -> memref<128x128xf32, #tpu.memory_space<hbm>>
        %dma_start3A_212 = arith.constant 0 : i32
        %dma_start3A_213 = tpu.memref_slice %arg4[%add3A_96, %dma_start3A_212] : memref<204800x128xf32, #tpu.memory_space<hbm>> -> memref<128x128xf32, #tpu.memory_space<hbm>>
        %dma_start3A_214 = arith.constant 0 : i32
        %dma_start3A_215 = arith.constant 0 : i32
        %dma_start3A_216 = tpu.memref_slice %arg6[%run_scoped3A, %dma_start3A_214, %dma_start3A_215] : memref<5x128x128xf32, #tpu.memory_space<vmem>> -> memref<1x128x128xf32, #tpu.memory_space<vmem>>
        %dma_start3A_217 = tpu.memref_squeeze %dma_start3A_216 : memref<1x128x128xf32, #tpu.memory_space<vmem>> -> memref<128x128xf32, #tpu.memory_space<vmem>>
        tpu.enqueue_dma source(%dma_start3A_217 : memref<128x128xf32, #tpu.memory_space<vmem>>) target(%dma_start3A_213 : memref<128x128xf32, #tpu.memory_space<hbm>>) target_semaphore(%run_scoped3A_205 : memref<!tpu.dma_semaphore, #tpu.memory_space<semaphore_mem>>)
        %dma_wait3A_218 = arith.constant 0 : i32
        %dma_wait3A_219 = arith.constant 0 : i32
        %dma_wait3A_220 = tpu.memref_slice %arg6[%run_scoped3A, %dma_wait3A_218, %dma_wait3A_219] : memref<5x128x128xf32, #tpu.memory_space<vmem>> -> memref<1x128x128xf32, #tpu.memory_space<vmem>>
        %dma_wait3A_221 = tpu.memref_squeeze %dma_wait3A_220 : memref<1x128x128xf32, #tpu.memory_space<vmem>> -> memref<128x128xf32, #tpu.memory_space<vmem>>
        %dma_wait3A_222 = arith.constant 0 : i32
        %dma_wait3A_223 = tpu.memref_slice %arg4[%add3A_96, %dma_wait3A_222] : memref<204800x128xf32, #tpu.memory_space<hbm>> -> memref<128x128xf32, #tpu.memory_space<hbm>>
        %dma_wait3A_224 = arith.constant 0 : i32
        %dma_wait3A_225 = tpu.memref_slice %arg4[%add3A_96, %dma_wait3A_224] : memref<204800x128xf32, #tpu.memory_space<hbm>> -> memref<128x128xf32, #tpu.memory_space<hbm>>
        %dma_wait3A_226 = arith.constant 0 : i32
        %dma_wait3A_227 = arith.constant 0 : i32
        %dma_wait3A_228 = tpu.memref_slice %arg6[%run_scoped3A, %dma_wait3A_226, %dma_wait3A_227] : memref<5x128x128xf32, #tpu.memory_space<vmem>> -> memref<1x128x128xf32, #tpu.memory_space<vmem>>
        %dma_wait3A_229 = tpu.memref_squeeze %dma_wait3A_228 : memref<1x128x128xf32, #tpu.memory_space<vmem>> -> memref<128x128xf32, #tpu.memory_space<vmem>>
        tpu.wait_dma2 semaphore(%run_scoped3A_205 : memref<!tpu.dma_semaphore, #tpu.memory_space<semaphore_mem>>) src(%dma_wait3A_229 : memref<128x128xf32, #tpu.memory_space<vmem>>) dst(%dma_wait3A_225 : memref<128x128xf32, #tpu.memory_space<hbm>>)
        tpu.yield
      }) : () -> ()
      %add3A_97 = arith.constant 5 : i32
      %add3A_98 = arith.addi %add3A_80, %add3A_97 : i32
      %lt3A = arith.constant 50 : i32
      %lt3A_99 = arith.cmpi slt, %add3A_98, %lt3A : i32
      %convert_element_type3A = arith.extui %lt3A_99 : i1 to i32
      %cond3A = arith.constant 0 : i32
      %cond3A_100 = arith.cmpi ne, %convert_element_type3A, %cond3A : i32
      scf.if %cond3A_100 {
        %add3A_205 = arith.constant 5 : i32
        %add3A_206 = arith.addi %add3A_80, %add3A_205 : i32
        %mul3A_207 = arith.constant 128 : i32
        %mul3A_208 = arith.muli %add3A_206, %mul3A_207 : i32
        %dma_start3A_209 = arith.constant 0 : i32
        %dma_start3A_210 = arith.constant 0 : i32
        %dma_start3A_211 = arith.constant 0 : i32
        %dma_start3A_212 = arith.constant 0 : i32
        %dma_start3A_213 = tpu.memref_slice %arg6[%dma_start3A_209, %dma_start3A_211, %dma_start3A_212] : memref<5x128x128xf32, #tpu.memory_space<vmem>> -> memref<1x128x128xf32, #tpu.memory_space<vmem>>
        %dma_start3A_214 = tpu.memref_squeeze %dma_start3A_213 : memref<1x128x128xf32, #tpu.memory_space<vmem>> -> memref<128x128xf32, #tpu.memory_space<vmem>>
        %dma_start3A_215 = tpu.memref_slice %arg5[%mul3A_208] : memref<6400xi32, #tpu.memory_space<vmem>> -> memref<128xi32, #tpu.memory_space<vmem>>
        %dma_start3A_216 = arith.constant 0 : i32
        %dma_start3A_217 = arith.constant 0 : i32
        %dma_start3A_218 = tpu.memref_slice %arg2[%dma_start3A_216, %dma_start3A_217] : memref<500000x128xf32, #tpu.memory_space<hbm>> -> memref<500000x128xf32, #tpu.memory_space<hbm>>
        %dma_start3A_219 = tpu.memref_slice %arg8[%dma_start3A_210] : memref<5x!tpu.dma_semaphore, #tpu.memory_space<semaphore_mem>> -> memref<1x!tpu.dma_semaphore, #tpu.memory_space<semaphore_mem>>
        %dma_start3A_220 = tpu.memref_squeeze %dma_start3A_219 : memref<1x!tpu.dma_semaphore, #tpu.memory_space<semaphore_mem>> -> memref<!tpu.dma_semaphore, #tpu.memory_space<semaphore_mem>>
        tpu.enqueue_indirect_dma source(%dma_start3A_218 : memref<500000x128xf32, #tpu.memory_space<hbm>>) target(%dma_start3A_214 : memref<128x128xf32, #tpu.memory_space<vmem>>) offsets(%dma_start3A_215 : memref<128xi32, #tpu.memory_space<vmem>>) semaphore(%dma_start3A_220 : memref<!tpu.dma_semaphore, #tpu.memory_space<semaphore_mem>>)
      } else {
      }
      %add3A_101 = arith.constant 1 : i32
      %add3A_102 = arith.addi %add3A_78, %add3A_101 : i32
      %dma_wait3A_103 = arith.constant 1 : i32
      %dma_wait3A_104 = arith.constant 1 : i32
      %dma_wait3A_105 = arith.constant 0 : i32
      %dma_wait3A_106 = arith.constant 0 : i32
      %dma_wait3A_107 = tpu.memref_slice %arg6[%dma_wait3A_103, %dma_wait3A_105, %dma_wait3A_106] : memref<5x128x128xf32, #tpu.memory_space<vmem>> -> memref<1x128x128xf32, #tpu.memory_space<vmem>>
      %dma_wait3A_108 = tpu.memref_squeeze %dma_wait3A_107 : memref<1x128x128xf32, #tpu.memory_space<vmem>> -> memref<128x128xf32, #tpu.memory_space<vmem>>
      %dma_wait3A_109 = arith.constant 0 : i32
      %dma_wait3A_110 = tpu.memref_slice %arg5[%dma_wait3A_109] : memref<6400xi32, #tpu.memory_space<vmem>> -> memref<128xi32, #tpu.memory_space<vmem>>
      %dma_wait3A_111 = arith.constant 0 : i32
      %dma_wait3A_112 = arith.constant 0 : i32
      %dma_wait3A_113 = tpu.memref_slice %arg2[%dma_wait3A_111, %dma_wait3A_112] : memref<500000x128xf32, #tpu.memory_space<hbm>> -> memref<500000x128xf32, #tpu.memory_space<hbm>>
      %dma_wait3A_114 = tpu.memref_slice %arg8[%dma_wait3A_104] : memref<5x!tpu.dma_semaphore, #tpu.memory_space<semaphore_mem>> -> memref<1x!tpu.dma_semaphore, #tpu.memory_space<semaphore_mem>>
      %dma_wait3A_115 = tpu.memref_squeeze %dma_wait3A_114 : memref<1x!tpu.dma_semaphore, #tpu.memory_space<semaphore_mem>> -> memref<!tpu.dma_semaphore, #tpu.memory_space<semaphore_mem>>
      tpu.wait_indirect_dma semaphore(%dma_wait3A_115 : memref<!tpu.dma_semaphore, #tpu.memory_space<semaphore_mem>>) src(%dma_wait3A_113 : memref<500000x128xf32, #tpu.memory_space<hbm>>) dst(%dma_wait3A_108 : memref<128x128xf32, #tpu.memory_space<vmem>>)
      %mul3A_116 = arith.constant 128 : i32
      %mul3A_117 = arith.muli %add3A_102, %mul3A_116 : i32
      %add3A_118 = arith.addi %mul3A_2, %mul3A_117 : i32
      %run_scoped3A_119 = arith.constant 1 : i32
      "tpu.region"() ({
        %run_scoped3A_205 = tpu.sem_alloc : memref<!tpu.dma_semaphore, #tpu.memory_space<semaphore_mem>>
        %dma_start3A_206 = arith.constant 0 : i32
        %dma_start3A_207 = arith.constant 0 : i32
        %dma_start3A_208 = tpu.memref_slice %arg6[%run_scoped3A_119, %dma_start3A_206, %dma_start3A_207] : memref<5x128x128xf32, #tpu.memory_space<vmem>> -> memref<1x128x128xf32, #tpu.memory_space<vmem>>
        %dma_start3A_209 = tpu.memref_squeeze %dma_start3A_208 : memref<1x128x128xf32, #tpu.memory_space<vmem>> -> memref<128x128xf32, #tpu.memory_space<vmem>>
        %dma_start3A_210 = arith.constant 0 : i32
        %dma_start3A_211 = tpu.memref_slice %arg4[%add3A_118, %dma_start3A_210] : memref<204800x128xf32, #tpu.memory_space<hbm>> -> memref<128x128xf32, #tpu.memory_space<hbm>>
        %dma_start3A_212 = arith.constant 0 : i32
        %dma_start3A_213 = tpu.memref_slice %arg4[%add3A_118, %dma_start3A_212] : memref<204800x128xf32, #tpu.memory_space<hbm>> -> memref<128x128xf32, #tpu.memory_space<hbm>>
        %dma_start3A_214 = arith.constant 0 : i32
        %dma_start3A_215 = arith.constant 0 : i32
        %dma_start3A_216 = tpu.memref_slice %arg6[%run_scoped3A_119, %dma_start3A_214, %dma_start3A_215] : memref<5x128x128xf32, #tpu.memory_space<vmem>> -> memref<1x128x128xf32, #tpu.memory_space<vmem>>
        %dma_start3A_217 = tpu.memref_squeeze %dma_start3A_216 : memref<1x128x128xf32, #tpu.memory_space<vmem>> -> memref<128x128xf32, #tpu.memory_space<vmem>>
        tpu.enqueue_dma source(%dma_start3A_217 : memref<128x128xf32, #tpu.memory_space<vmem>>) target(%dma_start3A_213 : memref<128x128xf32, #tpu.memory_space<hbm>>) target_semaphore(%run_scoped3A_205 : memref<!tpu.dma_semaphore, #tpu.memory_space<semaphore_mem>>)
        %dma_wait3A_218 = arith.constant 0 : i32
        %dma_wait3A_219 = arith.constant 0 : i32
        %dma_wait3A_220 = tpu.memref_slice %arg6[%run_scoped3A_119, %dma_wait3A_218, %dma_wait3A_219] : memref<5x128x128xf32, #tpu.memory_space<vmem>> -> memref<1x128x128xf32, #tpu.memory_space<vmem>>
        %dma_wait3A_221 = tpu.memref_squeeze %dma_wait3A_220 : memref<1x128x128xf32, #tpu.memory_space<vmem>> -> memref<128x128xf32, #tpu.memory_space<vmem>>
        %dma_wait3A_222 = arith.constant 0 : i32
        %dma_wait3A_223 = tpu.memref_slice %arg4[%add3A_118, %dma_wait3A_222] : memref<204800x128xf32, #tpu.memory_space<hbm>> -> memref<128x128xf32, #tpu.memory_space<hbm>>
        %dma_wait3A_224 = arith.constant 0 : i32
        %dma_wait3A_225 = tpu.memref_slice %arg4[%add3A_118, %dma_wait3A_224] : memref<204800x128xf32, #tpu.memory_space<hbm>> -> memref<128x128xf32, #tpu.memory_space<hbm>>
        %dma_wait3A_226 = arith.constant 0 : i32
        %dma_wait3A_227 = arith.constant 0 : i32
        %dma_wait3A_228 = tpu.memref_slice %arg6[%run_scoped3A_119, %dma_wait3A_226, %dma_wait3A_227] : memref<5x128x128xf32, #tpu.memory_space<vmem>> -> memref<1x128x128xf32, #tpu.memory_space<vmem>>
        %dma_wait3A_229 = tpu.memref_squeeze %dma_wait3A_228 : memref<1x128x128xf32, #tpu.memory_space<vmem>> -> memref<128x128xf32, #tpu.memory_space<vmem>>
        tpu.wait_dma2 semaphore(%run_scoped3A_205 : memref<!tpu.dma_semaphore, #tpu.memory_space<semaphore_mem>>) src(%dma_wait3A_229 : memref<128x128xf32, #tpu.memory_space<vmem>>) dst(%dma_wait3A_225 : memref<128x128xf32, #tpu.memory_space<hbm>>)
        tpu.yield
      }) : () -> ()
      %add3A_120 = arith.constant 5 : i32
      %add3A_121 = arith.addi %add3A_102, %add3A_120 : i32
      %lt3A_122 = arith.constant 50 : i32
      %lt3A_123 = arith.cmpi slt, %add3A_121, %lt3A_122 : i32
      %convert_element_type3A_124 = arith.extui %lt3A_123 : i1 to i32
      %cond3A_125 = arith.constant 0 : i32
      %cond3A_126 = arith.cmpi ne, %convert_element_type3A_124, %cond3A_125 : i32
      scf.if %cond3A_126 {
        %add3A_205 = arith.constant 5 : i32
        %add3A_206 = arith.addi %add3A_102, %add3A_205 : i32
        %mul3A_207 = arith.constant 128 : i32
        %mul3A_208 = arith.muli %add3A_206, %mul3A_207 : i32
        %dma_start3A_209 = arith.constant 1 : i32
        %dma_start3A_210 = arith.constant 1 : i32
        %dma_start3A_211 = arith.constant 0 : i32
        %dma_start3A_212 = arith.constant 0 : i32
        %dma_start3A_213 = tpu.memref_slice %arg6[%dma_start3A_209, %dma_start3A_211, %dma_start3A_212] : memref<5x128x128xf32, #tpu.memory_space<vmem>> -> memref<1x128x128xf32, #tpu.memory_space<vmem>>
        %dma_start3A_214 = tpu.memref_squeeze %dma_start3A_213 : memref<1x128x128xf32, #tpu.memory_space<vmem>> -> memref<128x128xf32, #tpu.memory_space<vmem>>
        %dma_start3A_215 = tpu.memref_slice %arg5[%mul3A_208] : memref<6400xi32, #tpu.memory_space<vmem>> -> memref<128xi32, #tpu.memory_space<vmem>>
        %dma_start3A_216 = arith.constant 0 : i32
        %dma_start3A_217 = arith.constant 0 : i32
        %dma_start3A_218 = tpu.memref_slice %arg2[%dma_start3A_216, %dma_start3A_217] : memref<500000x128xf32, #tpu.memory_space<hbm>> -> memref<500000x128xf32, #tpu.memory_space<hbm>>
        %dma_start3A_219 = tpu.memref_slice %arg8[%dma_start3A_210] : memref<5x!tpu.dma_semaphore, #tpu.memory_space<semaphore_mem>> -> memref<1x!tpu.dma_semaphore, #tpu.memory_space<semaphore_mem>>
        %dma_start3A_220 = tpu.memref_squeeze %dma_start3A_219 : memref<1x!tpu.dma_semaphore, #tpu.memory_space<semaphore_mem>> -> memref<!tpu.dma_semaphore, #tpu.memory_space<semaphore_mem>>
        tpu.enqueue_indirect_dma source(%dma_start3A_218 : memref<500000x128xf32, #tpu.memory_space<hbm>>) target(%dma_start3A_214 : memref<128x128xf32, #tpu.memory_space<vmem>>) offsets(%dma_start3A_215 : memref<128xi32, #tpu.memory_space<vmem>>) semaphore(%dma_start3A_220 : memref<!tpu.dma_semaphore, #tpu.memory_space<semaphore_mem>>)
      } else {
      }
      %add3A_127 = arith.constant 2 : i32
      %add3A_128 = arith.addi %add3A_78, %add3A_127 : i32
      %dma_wait3A_129 = arith.constant 2 : i32
      %dma_wait3A_130 = arith.constant 2 : i32
      %dma_wait3A_131 = arith.constant 0 : i32
      %dma_wait3A_132 = arith.constant 0 : i32
      %dma_wait3A_133 = tpu.memref_slice %arg6[%dma_wait3A_129, %dma_wait3A_131, %dma_wait3A_132] : memref<5x128x128xf32, #tpu.memory_space<vmem>> -> memref<1x128x128xf32, #tpu.memory_space<vmem>>
      %dma_wait3A_134 = tpu.memref_squeeze %dma_wait3A_133 : memref<1x128x128xf32, #tpu.memory_space<vmem>> -> memref<128x128xf32, #tpu.memory_space<vmem>>
      %dma_wait3A_135 = arith.constant 0 : i32
      %dma_wait3A_136 = tpu.memref_slice %arg5[%dma_wait3A_135] : memref<6400xi32, #tpu.memory_space<vmem>> -> memref<128xi32, #tpu.memory_space<vmem>>
      %dma_wait3A_137 = arith.constant 0 : i32
      %dma_wait3A_138 = arith.constant 0 : i32
      %dma_wait3A_139 = tpu.memref_slice %arg2[%dma_wait3A_137, %dma_wait3A_138] : memref<500000x128xf32, #tpu.memory_space<hbm>> -> memref<500000x128xf32, #tpu.memory_space<hbm>>
      %dma_wait3A_140 = tpu.memref_slice %arg8[%dma_wait3A_130] : memref<5x!tpu.dma_semaphore, #tpu.memory_space<semaphore_mem>> -> memref<1x!tpu.dma_semaphore, #tpu.memory_space<semaphore_mem>>
      %dma_wait3A_141 = tpu.memref_squeeze %dma_wait3A_140 : memref<1x!tpu.dma_semaphore, #tpu.memory_space<semaphore_mem>> -> memref<!tpu.dma_semaphore, #tpu.memory_space<semaphore_mem>>
      tpu.wait_indirect_dma semaphore(%dma_wait3A_141 : memref<!tpu.dma_semaphore, #tpu.memory_space<semaphore_mem>>) src(%dma_wait3A_139 : memref<500000x128xf32, #tpu.memory_space<hbm>>) dst(%dma_wait3A_134 : memref<128x128xf32, #tpu.memory_space<vmem>>)
      %mul3A_142 = arith.constant 128 : i32
      %mul3A_143 = arith.muli %add3A_128, %mul3A_142 : i32
      %add3A_144 = arith.addi %mul3A_2, %mul3A_143 : i32
      %run_scoped3A_145 = arith.constant 2 : i32
      "tpu.region"() ({
        %run_scoped3A_205 = tpu.sem_alloc : memref<!tpu.dma_semaphore, #tpu.memory_space<semaphore_mem>>
        %dma_start3A_206 = arith.constant 0 : i32
        %dma_start3A_207 = arith.constant 0 : i32
        %dma_start3A_208 = tpu.memref_slice %arg6[%run_scoped3A_145, %dma_start3A_206, %dma_start3A_207] : memref<5x128x128xf32, #tpu.memory_space<vmem>> -> memref<1x128x128xf32, #tpu.memory_space<vmem>>
        %dma_start3A_209 = tpu.memref_squeeze %dma_start3A_208 : memref<1x128x128xf32, #tpu.memory_space<vmem>> -> memref<128x128xf32, #tpu.memory_space<vmem>>
        %dma_start3A_210 = arith.constant 0 : i32
        %dma_start3A_211 = tpu.memref_slice %arg4[%add3A_144, %dma_start3A_210] : memref<204800x128xf32, #tpu.memory_space<hbm>> -> memref<128x128xf32, #tpu.memory_space<hbm>>
        %dma_start3A_212 = arith.constant 0 : i32
        %dma_start3A_213 = tpu.memref_slice %arg4[%add3A_144, %dma_start3A_212] : memref<204800x128xf32, #tpu.memory_space<hbm>> -> memref<128x128xf32, #tpu.memory_space<hbm>>
        %dma_start3A_214 = arith.constant 0 : i32
        %dma_start3A_215 = arith.constant 0 : i32
        %dma_start3A_216 = tpu.memref_slice %arg6[%run_scoped3A_145, %dma_start3A_214, %dma_start3A_215] : memref<5x128x128xf32, #tpu.memory_space<vmem>> -> memref<1x128x128xf32, #tpu.memory_space<vmem>>
        %dma_start3A_217 = tpu.memref_squeeze %dma_start3A_216 : memref<1x128x128xf32, #tpu.memory_space<vmem>> -> memref<128x128xf32, #tpu.memory_space<vmem>>
        tpu.enqueue_dma source(%dma_start3A_217 : memref<128x128xf32, #tpu.memory_space<vmem>>) target(%dma_start3A_213 : memref<128x128xf32, #tpu.memory_space<hbm>>) target_semaphore(%run_scoped3A_205 : memref<!tpu.dma_semaphore, #tpu.memory_space<semaphore_mem>>)
        %dma_wait3A_218 = arith.constant 0 : i32
        %dma_wait3A_219 = arith.constant 0 : i32
        %dma_wait3A_220 = tpu.memref_slice %arg6[%run_scoped3A_145, %dma_wait3A_218, %dma_wait3A_219] : memref<5x128x128xf32, #tpu.memory_space<vmem>> -> memref<1x128x128xf32, #tpu.memory_space<vmem>>
        %dma_wait3A_221 = tpu.memref_squeeze %dma_wait3A_220 : memref<1x128x128xf32, #tpu.memory_space<vmem>> -> memref<128x128xf32, #tpu.memory_space<vmem>>
        %dma_wait3A_222 = arith.constant 0 : i32
        %dma_wait3A_223 = tpu.memref_slice %arg4[%add3A_144, %dma_wait3A_222] : memref<204800x128xf32, #tpu.memory_space<hbm>> -> memref<128x128xf32, #tpu.memory_space<hbm>>
        %dma_wait3A_224 = arith.constant 0 : i32
        %dma_wait3A_225 = tpu.memref_slice %arg4[%add3A_144, %dma_wait3A_224] : memref<204800x128xf32, #tpu.memory_space<hbm>> -> memref<128x128xf32, #tpu.memory_space<hbm>>
        %dma_wait3A_226 = arith.constant 0 : i32
        %dma_wait3A_227 = arith.constant 0 : i32
        %dma_wait3A_228 = tpu.memref_slice %arg6[%run_scoped3A_145, %dma_wait3A_226, %dma_wait3A_227] : memref<5x128x128xf32, #tpu.memory_space<vmem>> -> memref<1x128x128xf32, #tpu.memory_space<vmem>>
        %dma_wait3A_229 = tpu.memref_squeeze %dma_wait3A_228 : memref<1x128x128xf32, #tpu.memory_space<vmem>> -> memref<128x128xf32, #tpu.memory_space<vmem>>
        tpu.wait_dma2 semaphore(%run_scoped3A_205 : memref<!tpu.dma_semaphore, #tpu.memory_space<semaphore_mem>>) src(%dma_wait3A_229 : memref<128x128xf32, #tpu.memory_space<vmem>>) dst(%dma_wait3A_225 : memref<128x128xf32, #tpu.memory_space<hbm>>)
        tpu.yield
      }) : () -> ()
      %add3A_146 = arith.constant 5 : i32
      %add3A_147 = arith.addi %add3A_128, %add3A_146 : i32
      %lt3A_148 = arith.constant 50 : i32
      %lt3A_149 = arith.cmpi slt, %add3A_147, %lt3A_148 : i32
      %convert_element_type3A_150 = arith.extui %lt3A_149 : i1 to i32
      %cond3A_151 = arith.constant 0 : i32
      %cond3A_152 = arith.cmpi ne, %convert_element_type3A_150, %cond3A_151 : i32
      scf.if %cond3A_152 {
        %add3A_205 = arith.constant 5 : i32
        %add3A_206 = arith.addi %add3A_128, %add3A_205 : i32
        %mul3A_207 = arith.constant 128 : i32
        %mul3A_208 = arith.muli %add3A_206, %mul3A_207 : i32
        %dma_start3A_209 = arith.constant 2 : i32
        %dma_start3A_210 = arith.constant 2 : i32
        %dma_start3A_211 = arith.constant 0 : i32
        %dma_start3A_212 = arith.constant 0 : i32
        %dma_start3A_213 = tpu.memref_slice %arg6[%dma_start3A_209, %dma_start3A_211, %dma_start3A_212] : memref<5x128x128xf32, #tpu.memory_space<vmem>> -> memref<1x128x128xf32, #tpu.memory_space<vmem>>
        %dma_start3A_214 = tpu.memref_squeeze %dma_start3A_213 : memref<1x128x128xf32, #tpu.memory_space<vmem>> -> memref<128x128xf32, #tpu.memory_space<vmem>>
        %dma_start3A_215 = tpu.memref_slice %arg5[%mul3A_208] : memref<6400xi32, #tpu.memory_space<vmem>> -> memref<128xi32, #tpu.memory_space<vmem>>
        %dma_start3A_216 = arith.constant 0 : i32
        %dma_start3A_217 = arith.constant 0 : i32
        %dma_start3A_218 = tpu.memref_slice %arg2[%dma_start3A_216, %dma_start3A_217] : memref<500000x128xf32, #tpu.memory_space<hbm>> -> memref<500000x128xf32, #tpu.memory_space<hbm>>
        %dma_start3A_219 = tpu.memref_slice %arg8[%dma_start3A_210] : memref<5x!tpu.dma_semaphore, #tpu.memory_space<semaphore_mem>> -> memref<1x!tpu.dma_semaphore, #tpu.memory_space<semaphore_mem>>
        %dma_start3A_220 = tpu.memref_squeeze %dma_start3A_219 : memref<1x!tpu.dma_semaphore, #tpu.memory_space<semaphore_mem>> -> memref<!tpu.dma_semaphore, #tpu.memory_space<semaphore_mem>>
        tpu.enqueue_indirect_dma source(%dma_start3A_218 : memref<500000x128xf32, #tpu.memory_space<hbm>>) target(%dma_start3A_214 : memref<128x128xf32, #tpu.memory_space<vmem>>) offsets(%dma_start3A_215 : memref<128xi32, #tpu.memory_space<vmem>>) semaphore(%dma_start3A_220 : memref<!tpu.dma_semaphore, #tpu.memory_space<semaphore_mem>>)
      } else {
      }
      %add3A_153 = arith.constant 3 : i32
      %add3A_154 = arith.addi %add3A_78, %add3A_153 : i32
      %dma_wait3A_155 = arith.constant 3 : i32
      %dma_wait3A_156 = arith.constant 3 : i32
      %dma_wait3A_157 = arith.constant 0 : i32
      %dma_wait3A_158 = arith.constant 0 : i32
      %dma_wait3A_159 = tpu.memref_slice %arg6[%dma_wait3A_155, %dma_wait3A_157, %dma_wait3A_158] : memref<5x128x128xf32, #tpu.memory_space<vmem>> -> memref<1x128x128xf32, #tpu.memory_space<vmem>>
      %dma_wait3A_160 = tpu.memref_squeeze %dma_wait3A_159 : memref<1x128x128xf32, #tpu.memory_space<vmem>> -> memref<128x128xf32, #tpu.memory_space<vmem>>
      %dma_wait3A_161 = arith.constant 0 : i32
      %dma_wait3A_162 = tpu.memref_slice %arg5[%dma_wait3A_161] : memref<6400xi32, #tpu.memory_space<vmem>> -> memref<128xi32, #tpu.memory_space<vmem>>
      %dma_wait3A_163 = arith.constant 0 : i32
      %dma_wait3A_164 = arith.constant 0 : i32
      %dma_wait3A_165 = tpu.memref_slice %arg2[%dma_wait3A_163, %dma_wait3A_164] : memref<500000x128xf32, #tpu.memory_space<hbm>> -> memref<500000x128xf32, #tpu.memory_space<hbm>>
      %dma_wait3A_166 = tpu.memref_slice %arg8[%dma_wait3A_156] : memref<5x!tpu.dma_semaphore, #tpu.memory_space<semaphore_mem>> -> memref<1x!tpu.dma_semaphore, #tpu.memory_space<semaphore_mem>>
      %dma_wait3A_167 = tpu.memref_squeeze %dma_wait3A_166 : memref<1x!tpu.dma_semaphore, #tpu.memory_space<semaphore_mem>> -> memref<!tpu.dma_semaphore, #tpu.memory_space<semaphore_mem>>
      tpu.wait_indirect_dma semaphore(%dma_wait3A_167 : memref<!tpu.dma_semaphore, #tpu.memory_space<semaphore_mem>>) src(%dma_wait3A_165 : memref<500000x128xf32, #tpu.memory_space<hbm>>) dst(%dma_wait3A_160 : memref<128x128xf32, #tpu.memory_space<vmem>>)
      %mul3A_168 = arith.constant 128 : i32
      %mul3A_169 = arith.muli %add3A_154, %mul3A_168 : i32
      %add3A_170 = arith.addi %mul3A_2, %mul3A_169 : i32
      %run_scoped3A_171 = arith.constant 3 : i32
      "tpu.region"() ({
        %run_scoped3A_205 = tpu.sem_alloc : memref<!tpu.dma_semaphore, #tpu.memory_space<semaphore_mem>>
        %dma_start3A_206 = arith.constant 0 : i32
        %dma_start3A_207 = arith.constant 0 : i32
        %dma_start3A_208 = tpu.memref_slice %arg6[%run_scoped3A_171, %dma_start3A_206, %dma_start3A_207] : memref<5x128x128xf32, #tpu.memory_space<vmem>> -> memref<1x128x128xf32, #tpu.memory_space<vmem>>
        %dma_start3A_209 = tpu.memref_squeeze %dma_start3A_208 : memref<1x128x128xf32, #tpu.memory_space<vmem>> -> memref<128x128xf32, #tpu.memory_space<vmem>>
        %dma_start3A_210 = arith.constant 0 : i32
        %dma_start3A_211 = tpu.memref_slice %arg4[%add3A_170, %dma_start3A_210] : memref<204800x128xf32, #tpu.memory_space<hbm>> -> memref<128x128xf32, #tpu.memory_space<hbm>>
        %dma_start3A_212 = arith.constant 0 : i32
        %dma_start3A_213 = tpu.memref_slice %arg4[%add3A_170, %dma_start3A_212] : memref<204800x128xf32, #tpu.memory_space<hbm>> -> memref<128x128xf32, #tpu.memory_space<hbm>>
        %dma_start3A_214 = arith.constant 0 : i32
        %dma_start3A_215 = arith.constant 0 : i32
        %dma_start3A_216 = tpu.memref_slice %arg6[%run_scoped3A_171, %dma_start3A_214, %dma_start3A_215] : memref<5x128x128xf32, #tpu.memory_space<vmem>> -> memref<1x128x128xf32, #tpu.memory_space<vmem>>
        %dma_start3A_217 = tpu.memref_squeeze %dma_start3A_216 : memref<1x128x128xf32, #tpu.memory_space<vmem>> -> memref<128x128xf32, #tpu.memory_space<vmem>>
        tpu.enqueue_dma source(%dma_start3A_217 : memref<128x128xf32, #tpu.memory_space<vmem>>) target(%dma_start3A_213 : memref<128x128xf32, #tpu.memory_space<hbm>>) target_semaphore(%run_scoped3A_205 : memref<!tpu.dma_semaphore, #tpu.memory_space<semaphore_mem>>)
        %dma_wait3A_218 = arith.constant 0 : i32
        %dma_wait3A_219 = arith.constant 0 : i32
        %dma_wait3A_220 = tpu.memref_slice %arg6[%run_scoped3A_171, %dma_wait3A_218, %dma_wait3A_219] : memref<5x128x128xf32, #tpu.memory_space<vmem>> -> memref<1x128x128xf32, #tpu.memory_space<vmem>>
        %dma_wait3A_221 = tpu.memref_squeeze %dma_wait3A_220 : memref<1x128x128xf32, #tpu.memory_space<vmem>> -> memref<128x128xf32, #tpu.memory_space<vmem>>
        %dma_wait3A_222 = arith.constant 0 : i32
        %dma_wait3A_223 = tpu.memref_slice %arg4[%add3A_170, %dma_wait3A_222] : memref<204800x128xf32, #tpu.memory_space<hbm>> -> memref<128x128xf32, #tpu.memory_space<hbm>>
        %dma_wait3A_224 = arith.constant 0 : i32
        %dma_wait3A_225 = tpu.memref_slice %arg4[%add3A_170, %dma_wait3A_224] : memref<204800x128xf32, #tpu.memory_space<hbm>> -> memref<128x128xf32, #tpu.memory_space<hbm>>
        %dma_wait3A_226 = arith.constant 0 : i32
        %dma_wait3A_227 = arith.constant 0 : i32
        %dma_wait3A_228 = tpu.memref_slice %arg6[%run_scoped3A_171, %dma_wait3A_226, %dma_wait3A_227] : memref<5x128x128xf32, #tpu.memory_space<vmem>> -> memref<1x128x128xf32, #tpu.memory_space<vmem>>
        %dma_wait3A_229 = tpu.memref_squeeze %dma_wait3A_228 : memref<1x128x128xf32, #tpu.memory_space<vmem>> -> memref<128x128xf32, #tpu.memory_space<vmem>>
        tpu.wait_dma2 semaphore(%run_scoped3A_205 : memref<!tpu.dma_semaphore, #tpu.memory_space<semaphore_mem>>) src(%dma_wait3A_229 : memref<128x128xf32, #tpu.memory_space<vmem>>) dst(%dma_wait3A_225 : memref<128x128xf32, #tpu.memory_space<hbm>>)
        tpu.yield
      }) : () -> ()
      %add3A_172 = arith.constant 5 : i32
      %add3A_173 = arith.addi %add3A_154, %add3A_172 : i32
      %lt3A_174 = arith.constant 50 : i32
      %lt3A_175 = arith.cmpi slt, %add3A_173, %lt3A_174 : i32
      %convert_element_type3A_176 = arith.extui %lt3A_175 : i1 to i32
      %cond3A_177 = arith.constant 0 : i32
      %cond3A_178 = arith.cmpi ne, %convert_element_type3A_176, %cond3A_177 : i32
      scf.if %cond3A_178 {
        %add3A_205 = arith.constant 5 : i32
        %add3A_206 = arith.addi %add3A_154, %add3A_205 : i32
        %mul3A_207 = arith.constant 128 : i32
        %mul3A_208 = arith.muli %add3A_206, %mul3A_207 : i32
        %dma_start3A_209 = arith.constant 3 : i32
        %dma_start3A_210 = arith.constant 3 : i32
        %dma_start3A_211 = arith.constant 0 : i32
        %dma_start3A_212 = arith.constant 0 : i32
        %dma_start3A_213 = tpu.memref_slice %arg6[%dma_start3A_209, %dma_start3A_211, %dma_start3A_212] : memref<5x128x128xf32, #tpu.memory_space<vmem>> -> memref<1x128x128xf32, #tpu.memory_space<vmem>>
        %dma_start3A_214 = tpu.memref_squeeze %dma_start3A_213 : memref<1x128x128xf32, #tpu.memory_space<vmem>> -> memref<128x128xf32, #tpu.memory_space<vmem>>
        %dma_start3A_215 = tpu.memref_slice %arg5[%mul3A_208] : memref<6400xi32, #tpu.memory_space<vmem>> -> memref<128xi32, #tpu.memory_space<vmem>>
        %dma_start3A_216 = arith.constant 0 : i32
        %dma_start3A_217 = arith.constant 0 : i32
        %dma_start3A_218 = tpu.memref_slice %arg2[%dma_start3A_216, %dma_start3A_217] : memref<500000x128xf32, #tpu.memory_space<hbm>> -> memref<500000x128xf32, #tpu.memory_space<hbm>>
        %dma_start3A_219 = tpu.memref_slice %arg8[%dma_start3A_210] : memref<5x!tpu.dma_semaphore, #tpu.memory_space<semaphore_mem>> -> memref<1x!tpu.dma_semaphore, #tpu.memory_space<semaphore_mem>>
        %dma_start3A_220 = tpu.memref_squeeze %dma_start3A_219 : memref<1x!tpu.dma_semaphore, #tpu.memory_space<semaphore_mem>> -> memref<!tpu.dma_semaphore, #tpu.memory_space<semaphore_mem>>
        tpu.enqueue_indirect_dma source(%dma_start3A_218 : memref<500000x128xf32, #tpu.memory_space<hbm>>) target(%dma_start3A_214 : memref<128x128xf32, #tpu.memory_space<vmem>>) offsets(%dma_start3A_215 : memref<128xi32, #tpu.memory_space<vmem>>) semaphore(%dma_start3A_220 : memref<!tpu.dma_semaphore, #tpu.memory_space<semaphore_mem>>)
      } else {
      }
      %add3A_179 = arith.constant 4 : i32
      %add3A_180 = arith.addi %add3A_78, %add3A_179 : i32
      %dma_wait3A_181 = arith.constant 4 : i32
      %dma_wait3A_182 = arith.constant 4 : i32
      %dma_wait3A_183 = arith.constant 0 : i32
      %dma_wait3A_184 = arith.constant 0 : i32
      %dma_wait3A_185 = tpu.memref_slice %arg6[%dma_wait3A_181, %dma_wait3A_183, %dma_wait3A_184] : memref<5x128x128xf32, #tpu.memory_space<vmem>> -> memref<1x128x128xf32, #tpu.memory_space<vmem>>
      %dma_wait3A_186 = tpu.memref_squeeze %dma_wait3A_185 : memref<1x128x128xf32, #tpu.memory_space<vmem>> -> memref<128x128xf32, #tpu.memory_space<vmem>>
      %dma_wait3A_187 = arith.constant 0 : i32
      %dma_wait3A_188 = tpu.memref_slice %arg5[%dma_wait3A_187] : memref<6400xi32, #tpu.memory_space<vmem>> -> memref<128xi32, #tpu.memory_space<vmem>>
      %dma_wait3A_189 = arith.constant 0 : i32
      %dma_wait3A_190 = arith.constant 0 : i32
      %dma_wait3A_191 = tpu.memref_slice %arg2[%dma_wait3A_189, %dma_wait3A_190] : memref<500000x128xf32, #tpu.memory_space<hbm>> -> memref<500000x128xf32, #tpu.memory_space<hbm>>
      %dma_wait3A_192 = tpu.memref_slice %arg8[%dma_wait3A_182] : memref<5x!tpu.dma_semaphore, #tpu.memory_space<semaphore_mem>> -> memref<1x!tpu.dma_semaphore, #tpu.memory_space<semaphore_mem>>
      %dma_wait3A_193 = tpu.memref_squeeze %dma_wait3A_192 : memref<1x!tpu.dma_semaphore, #tpu.memory_space<semaphore_mem>> -> memref<!tpu.dma_semaphore, #tpu.memory_space<semaphore_mem>>
      tpu.wait_indirect_dma semaphore(%dma_wait3A_193 : memref<!tpu.dma_semaphore, #tpu.memory_space<semaphore_mem>>) src(%dma_wait3A_191 : memref<500000x128xf32, #tpu.memory_space<hbm>>) dst(%dma_wait3A_186 : memref<128x128xf32, #tpu.memory_space<vmem>>)
      %mul3A_194 = arith.constant 128 : i32
      %mul3A_195 = arith.muli %add3A_180, %mul3A_194 : i32
      %add3A_196 = arith.addi %mul3A_2, %mul3A_195 : i32
      %run_scoped3A_197 = arith.constant 4 : i32
      "tpu.region"() ({
        %run_scoped3A_205 = tpu.sem_alloc : memref<!tpu.dma_semaphore, #tpu.memory_space<semaphore_mem>>
        %dma_start3A_206 = arith.constant 0 : i32
        %dma_start3A_207 = arith.constant 0 : i32
        %dma_start3A_208 = tpu.memref_slice %arg6[%run_scoped3A_197, %dma_start3A_206, %dma_start3A_207] : memref<5x128x128xf32, #tpu.memory_space<vmem>> -> memref<1x128x128xf32, #tpu.memory_space<vmem>>
        %dma_start3A_209 = tpu.memref_squeeze %dma_start3A_208 : memref<1x128x128xf32, #tpu.memory_space<vmem>> -> memref<128x128xf32, #tpu.memory_space<vmem>>
        %dma_start3A_210 = arith.constant 0 : i32
        %dma_start3A_211 = tpu.memref_slice %arg4[%add3A_196, %dma_start3A_210] : memref<204800x128xf32, #tpu.memory_space<hbm>> -> memref<128x128xf32, #tpu.memory_space<hbm>>
        %dma_start3A_212 = arith.constant 0 : i32
        %dma_start3A_213 = tpu.memref_slice %arg4[%add3A_196, %dma_start3A_212] : memref<204800x128xf32, #tpu.memory_space<hbm>> -> memref<128x128xf32, #tpu.memory_space<hbm>>
        %dma_start3A_214 = arith.constant 0 : i32
        %dma_start3A_215 = arith.constant 0 : i32
        %dma_start3A_216 = tpu.memref_slice %arg6[%run_scoped3A_197, %dma_start3A_214, %dma_start3A_215] : memref<5x128x128xf32, #tpu.memory_space<vmem>> -> memref<1x128x128xf32, #tpu.memory_space<vmem>>
        %dma_start3A_217 = tpu.memref_squeeze %dma_start3A_216 : memref<1x128x128xf32, #tpu.memory_space<vmem>> -> memref<128x128xf32, #tpu.memory_space<vmem>>
        tpu.enqueue_dma source(%dma_start3A_217 : memref<128x128xf32, #tpu.memory_space<vmem>>) target(%dma_start3A_213 : memref<128x128xf32, #tpu.memory_space<hbm>>) target_semaphore(%run_scoped3A_205 : memref<!tpu.dma_semaphore, #tpu.memory_space<semaphore_mem>>)
        %dma_wait3A_218 = arith.constant 0 : i32
        %dma_wait3A_219 = arith.constant 0 : i32
        %dma_wait3A_220 = tpu.memref_slice %arg6[%run_scoped3A_197, %dma_wait3A_218, %dma_wait3A_219] : memref<5x128x128xf32, #tpu.memory_space<vmem>> -> memref<1x128x128xf32, #tpu.memory_space<vmem>>
        %dma_wait3A_221 = tpu.memref_squeeze %dma_wait3A_220 : memref<1x128x128xf32, #tpu.memory_space<vmem>> -> memref<128x128xf32, #tpu.memory_space<vmem>>
        %dma_wait3A_222 = arith.constant 0 : i32
        %dma_wait3A_223 = tpu.memref_slice %arg4[%add3A_196, %dma_wait3A_222] : memref<204800x128xf32, #tpu.memory_space<hbm>> -> memref<128x128xf32, #tpu.memory_space<hbm>>
        %dma_wait3A_224 = arith.constant 0 : i32
        %dma_wait3A_225 = tpu.memref_slice %arg4[%add3A_196, %dma_wait3A_224] : memref<204800x128xf32, #tpu.memory_space<hbm>> -> memref<128x128xf32, #tpu.memory_space<hbm>>
        %dma_wait3A_226 = arith.constant 0 : i32
        %dma_wait3A_227 = arith.constant 0 : i32
        %dma_wait3A_228 = tpu.memref_slice %arg6[%run_scoped3A_197, %dma_wait3A_226, %dma_wait3A_227] : memref<5x128x128xf32, #tpu.memory_space<vmem>> -> memref<1x128x128xf32, #tpu.memory_space<vmem>>
        %dma_wait3A_229 = tpu.memref_squeeze %dma_wait3A_228 : memref<1x128x128xf32, #tpu.memory_space<vmem>> -> memref<128x128xf32, #tpu.memory_space<vmem>>
        tpu.wait_dma2 semaphore(%run_scoped3A_205 : memref<!tpu.dma_semaphore, #tpu.memory_space<semaphore_mem>>) src(%dma_wait3A_229 : memref<128x128xf32, #tpu.memory_space<vmem>>) dst(%dma_wait3A_225 : memref<128x128xf32, #tpu.memory_space<hbm>>)
        tpu.yield
      }) : () -> ()
      %add3A_198 = arith.constant 5 : i32
      %add3A_199 = arith.addi %add3A_180, %add3A_198 : i32
      %lt3A_200 = arith.constant 50 : i32
      %lt3A_201 = arith.cmpi slt, %add3A_199, %lt3A_200 : i32
      %convert_element_type3A_202 = arith.extui %lt3A_201 : i1 to i32
      %cond3A_203 = arith.constant 0 : i32
      %cond3A_204 = arith.cmpi ne, %convert_element_type3A_202, %cond3A_203 : i32
      scf.if %cond3A_204 {
        %add3A_205 = arith.constant 5 : i32
        %add3A_206 = arith.addi %add3A_180, %add3A_205 : i32
        %mul3A_207 = arith.constant 128 : i32
        %mul3A_208 = arith.muli %add3A_206, %mul3A_207 : i32
        %dma_start3A_209 = arith.constant 4 : i32
        %dma_start3A_210 = arith.constant 4 : i32
        %dma_start3A_211 = arith.constant 0 : i32
        %dma_start3A_212 = arith.constant 0 : i32
        %dma_start3A_213 = tpu.memref_slice %arg6[%dma_start3A_209, %dma_start3A_211, %dma_start3A_212] : memref<5x128x128xf32, #tpu.memory_space<vmem>> -> memref<1x128x128xf32, #tpu.memory_space<vmem>>
        %dma_start3A_214 = tpu.memref_squeeze %dma_start3A_213 : memref<1x128x128xf32, #tpu.memory_space<vmem>> -> memref<128x128xf32, #tpu.memory_space<vmem>>
        %dma_start3A_215 = tpu.memref_slice %arg5[%mul3A_208] : memref<6400xi32, #tpu.memory_space<vmem>> -> memref<128xi32, #tpu.memory_space<vmem>>
        %dma_start3A_216 = arith.constant 0 : i32
        %dma_start3A_217 = arith.constant 0 : i32
        %dma_start3A_218 = tpu.memref_slice %arg2[%dma_start3A_216, %dma_start3A_217] : memref<500000x128xf32, #tpu.memory_space<hbm>> -> memref<500000x128xf32, #tpu.memory_space<hbm>>
        %dma_start3A_219 = tpu.memref_slice %arg8[%dma_start3A_210] : memref<5x!tpu.dma_semaphore, #tpu.memory_space<semaphore_mem>> -> memref<1x!tpu.dma_semaphore, #tpu.memory_space<semaphore_mem>>
        %dma_start3A_220 = tpu.memref_squeeze %dma_start3A_219 : memref<1x!tpu.dma_semaphore, #tpu.memory_space<semaphore_mem>> -> memref<!tpu.dma_semaphore, #tpu.memory_space<semaphore_mem>>
        tpu.enqueue_indirect_dma source(%dma_start3A_218 : memref<500000x128xf32, #tpu.memory_space<hbm>>) target(%dma_start3A_214 : memref<128x128xf32, #tpu.memory_space<vmem>>) offsets(%dma_start3A_215 : memref<128xi32, #tpu.memory_space<vmem>>) semaphore(%dma_start3A_220 : memref<!tpu.dma_semaphore, #tpu.memory_space<semaphore_mem>>)
      } else {
      }
    }
    %scan3A_73 = arith.constant 10 : i32
    return
  }
}

module attributes {stable_mosaic.version = 14 : i64} {
  func.func @_relayout_body(%arg0: i32, %arg1: memref<2x5000x64xf32, #tpu.memory_space<vmem>>, %arg2: memref<5000x128xf32, #tpu.memory_space<vmem>>) attributes {dimension_semantics = [#tpu.dimension_semantics<parallel>], iteration_bounds = array<i64: 100>, scalar_prefetch = 0 : i64, scratch_operands = 0 : i64, tpu.core_type = #tpu.core_type<tc>, window_params = [{transform_indices = @transform_0, window_bounds = array<i64: 2, 5000, 64>}, {transform_indices = @transform_1, window_bounds = array<i64: 5000, 128>}]} {
    %get3A = arith.constant 0 : index
    %get3A_0 = arith.constant 0 : index
    %get3A_1 = arith.constant 0 : index
    %get3A_2 = vector.load %arg1[%get3A, %get3A_0, %get3A_1] : memref<2x5000x64xf32, #tpu.memory_space<vmem>>, vector<1x5000x64xf32>
    %get3A_3 = vector.shape_cast %get3A_2 : vector<1x5000x64xf32> to vector<5000x64xf32>
    %swap3A = arith.constant 0 : index
    %swap3A_4 = arith.constant 0 : index
    %swap3A_5 = vector.load %arg2[%swap3A, %swap3A_4] : memref<5000x128xf32, #tpu.memory_space<vmem>>, vector<5000x64xf32>
    tpu.vector_store %arg2[%swap3A, %swap3A_4], %get3A_3 {strides = array<i32>} : memref<5000x128xf32, #tpu.memory_space<vmem>>, vector<5000x64xf32>,
    %get3A_6 = arith.constant 1 : index
    %get3A_7 = arith.constant 0 : index
    %get3A_8 = arith.constant 0 : index
    %get3A_9 = vector.load %arg1[%get3A_6, %get3A_7, %get3A_8] : memref<2x5000x64xf32, #tpu.memory_space<vmem>>, vector<1x5000x64xf32>
    %get3A_10 = vector.shape_cast %get3A_9 : vector<1x5000x64xf32> to vector<5000x64xf32>
    %swap3A_11 = arith.constant 0 : index
    %swap3A_12 = arith.constant 64 : index
    %swap3A_13 = vector.load %arg2[%swap3A_11, %swap3A_12] : memref<5000x128xf32, #tpu.memory_space<vmem>>, vector<5000x64xf32>
    tpu.vector_store %arg2[%swap3A_11, %swap3A_12], %get3A_10 {strides = array<i32>} : memref<5000x128xf32, #tpu.memory_space<vmem>>, vector<5000x64xf32>,
    return
  }
  func.func @transform_0(%arg0: i32) -> (i32, i32, i32) {
    %c0_i32 = arith.constant 0 : i32
    %c0_i32_0 = arith.constant 0 : i32
    %c0_i32_1 = arith.constant 0 : i32
    return %c0_i32, %arg0, %c0_i32_0 : i32, i32, i32
  }
  func.func @transform_1(%arg0: i32) -> (i32, i32) {
    %c0_i32 = arith.constant 0 : i32
    %c0_i32_0 = arith.constant 0 : i32
    return %arg0, %c0_i32 : i32, i32
  }
}

module attributes {stable_mosaic.version = 14 : i64} {
  func.func @_fused_body(%arg0: i32, %arg1: memref<3200x128xf32, #tpu.memory_space<vmem>>, %arg2: memref<3200x32xbf16, #tpu.memory_space<vmem>>, %arg3: memref<192x64xf32, #tpu.memory_space<vmem>>, %arg4: memref<1x64xf32, #tpu.memory_space<vmem>>, %arg5: memref<8x64xf32, #tpu.memory_space<vmem>>, %arg6: memref<8x64xf32, #tpu.memory_space<vmem>>, %arg7: memref<1x64xf32, #tpu.memory_space<vmem>>, %arg8: memref<1x64xf32, #tpu.memory_space<vmem>>, %arg9: memref<16x200x64xf32, #tpu.memory_space<vmem>>) attributes {dimension_semantics = [#tpu.dimension_semantics<parallel>], iteration_bounds = array<i64: 64>, scalar_prefetch = 0 : i64, scratch_operands = 0 : i64, tpu.core_type = #tpu.core_type<tc>, window_params = [{transform_indices = @transform_0, window_bounds = array<i64: 3200, 128>}, {transform_indices = @transform_1, window_bounds = array<i64: 3200, 32>}, {pipeline_mode = #tpu.pipeline_mode<synchronous>, transform_indices = @transform_2, window_bounds = array<i64: 192, 64>}, {pipeline_mode = #tpu.pipeline_mode<synchronous>, transform_indices = @transform_3, window_bounds = array<i64: 1, 64>}, {pipeline_mode = #tpu.pipeline_mode<synchronous>, transform_indices = @transform_4, window_bounds = array<i64: 8, 64>}, {pipeline_mode = #tpu.pipeline_mode<synchronous>, transform_indices = @transform_5, window_bounds = array<i64: 8, 64>}, {pipeline_mode = #tpu.pipeline_mode<synchronous>, transform_indices = @transform_6, window_bounds = array<i64: 1, 64>}, {pipeline_mode = #tpu.pipeline_mode<synchronous>, transform_indices = @transform_7, window_bounds = array<i64: 1, 64>}, {transform_indices = @transform_8, window_bounds = array<i64: 16, 200, 64>}]} {
    %get3A = arith.constant 0 : index
    %get3A_0 = arith.constant 0 : index
    %get3A_1 = vector.load %arg3[%get3A, %get3A_0] : memref<192x64xf32, #tpu.memory_space<vmem>>, vector<64x64xf32>
    %get3A_2 = arith.constant 64 : index
    %get3A_3 = arith.constant 0 : index
    %get3A_4 = vector.load %arg3[%get3A_2, %get3A_3] : memref<192x64xf32, #tpu.memory_space<vmem>>, vector<64x64xf32>
    %get3A_5 = arith.constant 128 : index
    %get3A_6 = arith.constant 0 : index
    %get3A_7 = vector.load %arg3[%get3A_5, %get3A_6] : memref<192x64xf32, #tpu.memory_space<vmem>>, vector<64x64xf32>
    %get3A_8 = arith.constant 0 : index
    %get3A_9 = arith.constant 0 : index
    %get3A_10 = vector.load %arg5[%get3A_8, %get3A_9] : memref<8x64xf32, #tpu.memory_space<vmem>>, vector<8x64xf32>
    %dot_general3A = arith.constant dense<0.000000e+00> : vector<8x64xf32>
    %dot_general3A_11 = tpu.matmul %get3A_10, %get3A_4, %dot_general3A {dimension_numbers = #tpu.dot_dimension_numbers<[1], [0], [0], [1], [0, 0, 1, 1], [], []>, transpose_lhs_hint = false} : vector<8x64xf32>, vector<64x64xf32>, vector<8x64xf32> -> vector<8x64xf32>
    %get3A_12 = arith.constant 0 : index
    %get3A_13 = arith.constant 0 : index
    %get3A_14 = vector.load %arg6[%get3A_12, %get3A_13] : memref<8x64xf32, #tpu.memory_space<vmem>>, vector<8x64xf32>
    %dot_general3A_15 = arith.constant dense<0.000000e+00> : vector<8x64xf32>
    %dot_general3A_16 = tpu.matmul %get3A_14, %get3A_7, %dot_general3A_15 {dimension_numbers = #tpu.dot_dimension_numbers<[1], [0], [0], [1], [0, 0, 1, 1], [], []>, transpose_lhs_hint = false} : vector<8x64xf32>, vector<64x64xf32>, vector<8x64xf32> -> vector<8x64xf32>
    %iota3A = tpu.iota {dimensions = array<i32: 0>} : vector<32x8xi32>
    %iota3A_17 = tpu.iota {dimensions = array<i32: 1>} : vector<32x8xi32>
    %and3A = arith.constant 15 : i32
    %and3A_18 = vector.broadcast %and3A : i32 to vector<32x8xi32>
    %and3A_19 = arith.andi %iota3A, %and3A_18 : vector<32x8xi32>
    %jit3A = arith.constant 5 : i32
    %div3A = vector.broadcast %jit3A : i32 to vector<32x8xi32>
    %div3A_20 = arith.divsi %and3A_19, %div3A : vector<32x8xi32>
    %sign3A = arith.constant 0 : i32
    %sign3A_21 = vector.broadcast %sign3A : i32 to vector<32x8xi32>
    %sign3A_22 = arith.cmpi sgt, %and3A_19, %sign3A_21 : vector<32x8xi32>
    %sign3A_23 = arith.extui %sign3A_22 : vector<32x8xi1> to vector<32x8xi32>
    %sign3A_24 = arith.constant 0 : i32
    %sign3A_25 = vector.broadcast %sign3A_24 : i32 to vector<32x8xi32>
    %sign3A_26 = arith.cmpi slt, %and3A_19, %sign3A_25 : vector<32x8xi32>
    %sign3A_27 = arith.extui %sign3A_26 : vector<32x8xi1> to vector<32x8xi32>
    %sign3A_28 = arith.subi %sign3A_23, %sign3A_27 : vector<32x8xi32>
    %sign3A_29 = arith.constant 0 : i32
    %sign3A_30 = arith.cmpi sgt, %jit3A, %sign3A_29 : i32
    %sign3A_31 = arith.extui %sign3A_30 : i1 to i32
    %sign3A_32 = arith.constant 0 : i32
    %sign3A_33 = arith.cmpi slt, %jit3A, %sign3A_32 : i32
    %sign3A_34 = arith.extui %sign3A_33 : i1 to i32
    %sign3A_35 = arith.subi %sign3A_31, %sign3A_34 : i32
    %ne3A = vector.broadcast %sign3A_35 : i32 to vector<32x8xi32>
    %ne3A_36 = arith.cmpi ne, %sign3A_28, %ne3A : vector<32x8xi32>
    %rem3A = vector.broadcast %jit3A : i32 to vector<32x8xi32>
    %rem3A_37 = arith.remsi %and3A_19, %rem3A : vector<32x8xi32>
    %ne3A_38 = arith.constant 0 : i32
    %ne3A_39 = vector.broadcast %ne3A_38 : i32 to vector<32x8xi32>
    %ne3A_40 = arith.cmpi ne, %rem3A_37, %ne3A_39 : vector<32x8xi32>
    %and3A_41 = arith.andi %ne3A_36, %ne3A_40 : vector<32x8xi1>
    %sub3A = arith.constant 1 : i32
    %sub3A_42 = vector.broadcast %sub3A : i32 to vector<32x8xi32>
    %sub3A_43 = arith.subi %div3A_20, %sub3A_42 : vector<32x8xi32>
    %select_n3A = arith.select %and3A_41, %sub3A_43, %div3A_20 : vector<32x8xi1>, vector<32x8xi32>
    %eq3A = arith.cmpi eq, %iota3A_17, %select_n3A : vector<32x8xi32>
    %convert_element_type3A = arith.extui %eq3A : vector<32x8xi1> to vector<32x8xi32>
    %convert_element_type3A_44 = arith.sitofp %convert_element_type3A : vector<32x8xi32> to vector<32x8xf32>
    %jit3A_45 = arith.constant 5 : i32
    %eq3A_46 = arith.constant 0 : i32
    %eq3A_47 = arith.cmpi eq, %jit3A_45, %eq3A_46 : i32
    %jit3A_48 = arith.constant 1 : i32
    %select_n3A_49 = arith.select %eq3A_47, %jit3A_48, %jit3A_45 : i32
    %rem3A_50 = vector.broadcast %select_n3A_49 : i32 to vector<32x8xi32>
    %rem3A_51 = arith.remsi %and3A_19, %rem3A_50 : vector<32x8xi32>
    %ne3A_52 = arith.constant 0 : i32
    %ne3A_53 = vector.broadcast %ne3A_52 : i32 to vector<32x8xi32>
    %ne3A_54 = arith.cmpi ne, %rem3A_51, %ne3A_53 : vector<32x8xi32>
    %lt3A = arith.constant 0 : i32
    %lt3A_55 = vector.broadcast %lt3A : i32 to vector<32x8xi32>
    %lt3A_56 = arith.cmpi slt, %rem3A_51, %lt3A_55 : vector<32x8xi32>
    %lt3A_57 = arith.constant 0 : i32
    %lt3A_58 = arith.cmpi slt, %select_n3A_49, %lt3A_57 : i32
    %ne3A_59 = vector.broadcast %lt3A_58 : i1 to vector<32x8xi1>
    %ne3A_60 = vector.broadcast %ne3A_59 : vector<32x8xi1> to vector<32x8xi1>
    %ne3A_61 = arith.xori %lt3A_56, %ne3A_60 : vector<32x8xi1>
    %and3A_62 = arith.andi %ne3A_61, %ne3A_54 : vector<32x8xi1>
    %add3A = vector.broadcast %select_n3A_49 : i32 to vector<32x8xi32>
    %add3A_63 = arith.addi %rem3A_51, %add3A : vector<32x8xi32>
    %select_n3A_64 = arith.select %and3A_62, %add3A_63, %rem3A_51 : vector<32x8xi1>, vector<32x8xi32>
    %eq3A_65 = arith.cmpi eq, %iota3A_17, %select_n3A_64 : vector<32x8xi32>
    %convert_element_type3A_66 = arith.extui %eq3A_65 : vector<32x8xi1> to vector<32x8xi32>
    %convert_element_type3A_67 = arith.sitofp %convert_element_type3A_66 : vector<32x8xi32> to vector<32x8xf32>
    %dot_general3A_68 = arith.constant dense<0.000000e+00> : vector<32x64xf32>
    %dot_general3A_69 = tpu.matmul %convert_element_type3A_44, %dot_general3A_11, %dot_general3A_68 {dimension_numbers = #tpu.dot_dimension_numbers<[1], [0], [0], [1], [0, 0, 1, 1], [], []>, transpose_lhs_hint = false} : vector<32x8xf32>, vector<8x64xf32>, vector<32x64xf32> -> vector<32x64xf32>
    %dot_general3A_70 = arith.constant dense<0.000000e+00> : vector<32x64xf32>
    %dot_general3A_71 = tpu.matmul %convert_element_type3A_67, %dot_general3A_16, %dot_general3A_70 {dimension_numbers = #tpu.dot_dimension_numbers<[1], [0], [0], [1], [0, 0, 1, 1], [], []>, transpose_lhs_hint = false} : vector<32x8xf32>, vector<8x64xf32>, vector<32x64xf32> -> vector<32x64xf32>
    %add3A_72 = arith.addf %dot_general3A_69, %dot_general3A_71 : vector<32x64xf32>
    %get3A_73 = arith.constant 0 : index
    %get3A_74 = arith.constant 0 : index
    %get3A_75 = vector.load %arg4[%get3A_73, %get3A_74] : memref<1x64xf32, #tpu.memory_space<vmem>>, vector<1x64xf32>
    %add3A_76 = vector.broadcast %get3A_75 : vector<1x64xf32> to vector<32x64xf32>
    %add3A_77 = arith.addf %add3A_72, %add3A_76 : vector<32x64xf32>
    %iota3A_78 = tpu.iota {dimensions = array<i32: 0>} : vector<32x64xi32>
    %ge3A = arith.constant 16 : i32
    %ge3A_79 = vector.broadcast %ge3A : i32 to vector<32x64xi32>
    %ge3A_80 = arith.cmpi sge, %iota3A_78, %ge3A_79 : vector<32x64xi32>
    %convert_element_type3A_81 = arith.extui %ge3A_80 : vector<32x64xi1> to vector<32x64xi32>
    %convert_element_type3A_82 = arith.sitofp %convert_element_type3A_81 : vector<32x64xi32> to vector<32x64xf32>
    %get3A_83 = arith.constant 0 : index
    %get3A_84 = arith.constant 0 : index
    %get3A_85 = vector.load %arg2[%get3A_83, %get3A_84] : memref<3200x32xbf16, #tpu.memory_space<vmem>>, vector<3200x32xbf16>
    %convert_element_type3A_86 = arith.extf %get3A_85 : vector<3200x32xbf16> to vector<3200x32xf32>
    %dot_general3A_87 = arith.constant dense<0.000000e+00> : vector<3200x64xf32>
    %dot_general3A_88 = tpu.matmul %convert_element_type3A_86, %convert_element_type3A_82, %dot_general3A_87 {dimension_numbers = #tpu.dot_dimension_numbers<[1], [0], [0], [1], [0, 0, 1, 1], [], []>, transpose_lhs_hint = false} : vector<3200x32xf32>, vector<32x64xf32>, vector<3200x64xf32> -> vector<3200x64xf32>
    %get3A_89 = arith.constant 0 : index
    %get3A_90 = arith.constant 0 : index
    %get3A_91 = vector.load %arg1[%get3A_89, %get3A_90] : memref<3200x128xf32, #tpu.memory_space<vmem>>, vector<3200x64xf32>
    %get3A_92 = arith.constant 0 : index
    %get3A_93 = arith.constant 64 : index
    %get3A_94 = vector.load %arg1[%get3A_92, %get3A_93] : memref<3200x128xf32, #tpu.memory_space<vmem>>, vector<3200x64xf32>
    %sub3A_95 = arith.subf %get3A_94, %get3A_91 : vector<3200x64xf32>
    %mul3A = arith.mulf %dot_general3A_88, %sub3A_95 : vector<3200x64xf32>
    %add3A_96 = arith.addf %get3A_91, %mul3A : vector<3200x64xf32>
    %dot_general3A_97 = arith.constant dense<0.000000e+00> : vector<3200x64xf32>
    %dot_general3A_98 = tpu.matmul %add3A_96, %get3A_1, %dot_general3A_97 {dimension_numbers = #tpu.dot_dimension_numbers<[1], [0], [0], [1], [0, 0, 1, 1], [], []>, transpose_lhs_hint = false} : vector<3200x64xf32>, vector<64x64xf32>, vector<3200x64xf32> -> vector<3200x64xf32>
    %dot_general3A_99 = arith.constant dense<0.000000e+00> : vector<3200x64xf32>
    %dot_general3A_100 = tpu.matmul %convert_element_type3A_86, %add3A_77, %dot_general3A_99 {dimension_numbers = #tpu.dot_dimension_numbers<[1], [0], [0], [1], [0, 0, 1, 1], [], []>, transpose_lhs_hint = false} : vector<3200x32xf32>, vector<32x64xf32>, vector<3200x64xf32> -> vector<3200x64xf32>
    %add3A_101 = arith.addf %dot_general3A_98, %dot_general3A_100 : vector<3200x64xf32>
    %mul3A_102 = arith.constant 5.000000e-01 : f32
    %mul3A_103 = vector.broadcast %mul3A_102 : f32 to vector<3200x64xf32>
    %mul3A_104 = arith.mulf %mul3A_103, %add3A_101 : vector<3200x64xf32>
    %mul3A_105 = arith.constant 0.707106769 : f32
    %mul3A_106 = vector.broadcast %mul3A_105 : f32 to vector<3200x64xf32>
    %mul3A_107 = arith.mulf %add3A_101, %mul3A_106 : vector<3200x64xf32>
    %erf3A = math.erf %mul3A_107 : vector<3200x64xf32>
    %add3A_108 = arith.constant 1.000000e+00 : f32
    %add3A_109 = vector.broadcast %add3A_108 : f32 to vector<3200x64xf32>
    %add3A_110 = arith.addf %add3A_109, %erf3A : vector<3200x64xf32>
    %mul3A_111 = arith.mulf %mul3A_104, %add3A_110 : vector<3200x64xf32>
    %reduce_sum3A = arith.constant dense<0.000000e+00> : vector<3200xf32>
    %reduce_sum3A_112 = vector.multi_reduction <add>, %mul3A_111, %reduce_sum3A [1] : vector<3200x64xf32> to vector<3200xf32>
    %broadcast_in_dim3A = vector.shape_cast %reduce_sum3A_112 : vector<3200xf32> to vector<3200x1xf32>
    %div3A_113 = arith.constant 6.400000e+01 : f32
    %div3A_114 = vector.broadcast %div3A_113 : f32 to vector<3200x1xf32>
    %div3A_115 = arith.divf %broadcast_in_dim3A, %div3A_114 : vector<3200x1xf32>
    %sub3A_116 = vector.broadcast %div3A_115 : vector<3200x1xf32> to vector<3200x64xf32>
    %sub3A_117 = arith.subf %mul3A_111, %sub3A_116 : vector<3200x64xf32>
    %mul3A_118 = arith.mulf %sub3A_117, %sub3A_117 : vector<3200x64xf32>
    %reduce_sum3A_119 = arith.constant dense<0.000000e+00> : vector<3200xf32>
    %reduce_sum3A_120 = vector.multi_reduction <add>, %mul3A_118, %reduce_sum3A_119 [1] : vector<3200x64xf32> to vector<3200xf32>
    %broadcast_in_dim3A_121 = vector.shape_cast %reduce_sum3A_120 : vector<3200xf32> to vector<3200x1xf32>
    %div3A_122 = arith.constant 6.400000e+01 : f32
    %div3A_123 = vector.broadcast %div3A_122 : f32 to vector<3200x1xf32>
    %div3A_124 = arith.divf %broadcast_in_dim3A_121, %div3A_123 : vector<3200x1xf32>
    %add3A_125 = arith.constant 9.99999974E-6 : f32
    %add3A_126 = vector.broadcast %add3A_125 : f32 to vector<3200x1xf32>
    %add3A_127 = arith.addf %div3A_124, %add3A_126 : vector<3200x1xf32>
    %rsqrt3A = math.rsqrt %add3A_127 : vector<3200x1xf32>
    %mul3A_128 = vector.broadcast %rsqrt3A : vector<3200x1xf32> to vector<3200x64xf32>
    %mul3A_129 = arith.mulf %sub3A_117, %mul3A_128 : vector<3200x64xf32>
    %get3A_130 = arith.constant 0 : index
    %get3A_131 = arith.constant 0 : index
    %get3A_132 = vector.load %arg7[%get3A_130, %get3A_131] : memref<1x64xf32, #tpu.memory_space<vmem>>, vector<1x64xf32>
    %mul3A_133 = vector.broadcast %get3A_132 : vector<1x64xf32> to vector<3200x64xf32>
    %mul3A_134 = arith.mulf %mul3A_129, %mul3A_133 : vector<3200x64xf32>
    %get3A_135 = arith.constant 0 : index
    %get3A_136 = arith.constant 0 : index
    %get3A_137 = vector.load %arg8[%get3A_135, %get3A_136] : memref<1x64xf32, #tpu.memory_space<vmem>>, vector<1x64xf32>
    %add3A_138 = vector.broadcast %get3A_137 : vector<1x64xf32> to vector<3200x64xf32>
    %add3A_139 = arith.addf %mul3A_134, %add3A_138 : vector<3200x64xf32>
    %reshape3A = vector.shape_cast %add3A_139 : vector<3200x64xf32> to vector<16x200x64xf32>
    %swap3A = arith.constant 0 : index
    %swap3A_140 = arith.constant 0 : index
    %swap3A_141 = arith.constant 0 : index
    %swap3A_142 = vector.load %arg9[%swap3A, %swap3A_140, %swap3A_141] : memref<16x200x64xf32, #tpu.memory_space<vmem>>, vector<16x200x64xf32>
    tpu.vector_store %arg9[%swap3A, %swap3A_140, %swap3A_141], %reshape3A {strides = array<i32>} : memref<16x200x64xf32, #tpu.memory_space<vmem>>, vector<16x200x64xf32>,
    return
  }
  func.func @transform_0(%arg0: i32) -> (i32, i32) {
    %c0_i32 = arith.constant 0 : i32
    %c0_i32_0 = arith.constant 0 : i32
    return %arg0, %c0_i32 : i32, i32
  }
  func.func @transform_1(%arg0: i32) -> (i32, i32) {
    %c0_i32 = arith.constant 0 : i32
    %c0_i32_0 = arith.constant 0 : i32
    return %arg0, %c0_i32 : i32, i32
  }
  func.func @transform_2(%arg0: i32) -> (i32, i32) {
    %c0_i32 = arith.constant 0 : i32
    %c0_i32_0 = arith.constant 0 : i32
    %c0_i32_1 = arith.constant 0 : i32
    return %c0_i32, %c0_i32_0 : i32, i32
  }
  func.func @transform_3(%arg0: i32) -> (i32, i32) {
    %c0_i32 = arith.constant 0 : i32
    %c0_i32_0 = arith.constant 0 : i32
    %c0_i32_1 = arith.constant 0 : i32
    return %c0_i32, %c0_i32_0 : i32, i32
  }
  func.func @transform_4(%arg0: i32) -> (i32, i32) {
    %c0_i32 = arith.constant 0 : i32
    %c0_i32_0 = arith.constant 0 : i32
    %c0_i32_1 = arith.constant 0 : i32
    return %c0_i32, %c0_i32_0 : i32, i32
  }
  func.func @transform_5(%arg0: i32) -> (i32, i32) {
    %c0_i32 = arith.constant 0 : i32
    %c0_i32_0 = arith.constant 0 : i32
    %c0_i32_1 = arith.constant 0 : i32
    return %c0_i32, %c0_i32_0 : i32, i32
  }
  func.func @transform_6(%arg0: i32) -> (i32, i32) {
    %c0_i32 = arith.constant 0 : i32
    %c0_i32_0 = arith.constant 0 : i32
    %c0_i32_1 = arith.constant 0 : i32
    return %c0_i32, %c0_i32_0 : i32, i32
  }
  func.func @transform_7(%arg0: i32) -> (i32, i32) {
    %c0_i32 = arith.constant 0 : i32
    %c0_i32_0 = arith.constant 0 : i32
    %c0_i32_1 = arith.constant 0 : i32
    return %c0_i32, %c0_i32_0 : i32, i32
  }
  func.func @transform_8(%arg0: i32) -> (i32, i32, i32) {
    %c0_i32 = arith.constant 0 : i32
    %c0_i32_0 = arith.constant 0 : i32
    %c0_i32_1 = arith.constant 0 : i32
    return %arg0, %c0_i32, %c0_i32_0 : i32, i32, i32
  }
}

</mosaic_0001>

<sc_bundles>
// kernel: kernel.5.cloned.1.call-start
scs
__scs_entry_jumppad:
0x0: {  	(pc) =	sbr.rel $0x88, $3  }
0x1: {  	(tag) =	ssettag $0x0;
	lr =	simm.s32 $0x1  }
0x2: {  	[smem:$0x3F97] =	sst lr;
	_ =	strace $0xD0000000  }
0x3: {  	_ = 	snop  }
0x4: {  	_ = 	snop  }
0x5: {  	_ = 	snop  }
0x6: {  	_ = 	snop  }
0x7: {  	_ = 	snop  }
__scs_overlays_trampoline_lowered:
0x8: {  	[smem:$0x3FA6] =	sst s0  }
0x9: {  	[smem:$0x3FA7] =	sst s1  }
0xa: {  	[smem:$0x3FA8] =	sst s2  }
0xb: {  	[smem:$0x3FA9] =	sst s3  }
0xc: {  	[smem:$0x3FAA] =	sst s4  }
0xd: {  	[smem:$0x3FAB] =	sst s5  }
0xe: {  	[smem:$0x3FAC] =	sst s6  }
0xf: {  	[smem:$0x3FAD] =	sst s7  }
0x10: {  	[smem:$0x3FAE] =	sst s8  }
0x11: {  	[smem:$0x3FAF] =	sst s9;
	s0 =	simm.s32 @!p0 $0x0  }
0x12: {  	s1 =	sld [smem:$0x3F95];
	s0 =	simm.s32 @p0 $0x1  }
0x13: {  	[smem:$0x3FB0] =	sst s0;
	s0 =	simm.s32 @!p1 $0x0  }
0x14: {  	s2 =	sld [smem:$0x3F94];
	s0 =	simm.s32 @p1 $0x1  }
0x15: {  	[smem:$0x3FB1] =	sst s0;
	s0 =	simm.s32 @!p2 $0x0  }
0x16: {  	s3 =	sld [smem:$0x3FDB];
	s0 =	simm.s32 @p2 $0x1  }
0x17: {  	s4 =	simm.s32 $0x1BF5;
	[smem:$0x3FB3] =	sst s0  }
0x18: {  	s0 =	sld [smem:$0x3F96];
	_ =	swait.ge [sflag:s4], $0x0  }
0x19: {  	s7 =	sld [smem:$0x3F97]  }
0x1a: {  	s8 =	sadd.s32 $0xFFFFE003, lr  }
0x1b: {  	s9 =	sadd.s32 $0xFFFFFEF7, lr;
	s5 =	simm.s32 $0xFFFFFFFF;
	p2 =	slt.u32 s8, $0xFFFFF086  }
0x1c: {  	p1 =	slt.u32 s9, $0xF7A;
	s5 =	simm.s32 @!p2 $0x0  }
0x1d: {  	s5 =	simm.s32 @p1 $0x1;
	p0 =	seq.s32 s7, s2  }
0x1e: {  	s7 =	smul.u32 @!p0 $0xF7A, s2;
	p2 =	seq.s32 @!p0 s5, $0x0  }
0x1f: {  	s9 =	smul.u32 $0xF7A, s1;
	s8 =	simm.s32 @!p0 $0x1BF5;
	p2 =	por !p2, p0  }
0x20: {  	[sflag:s8] =	ssyncset.s32 @!p0 $0xFFFFF086;
	s6 =	sadd.s32 @!p0 s3, s7;
	s7 =	simm.s32 @!p0 $0x108  }
0x21: {  	s3 =	sadd.s32 s3, s9;
	s6 =	sadd.s32 @!p0 $0x88, s6;
	s7 =	simm.s32 @p2 $0x1082  }
0x22: {  	[simem:s7], [sflag:s8] =	dma.local @!p0 [hbm:s6], $0xF7A  }
0x23: {  	s9 =	sor.u32 $0xD0000000, s2;
	s6 =	simm.s32 $0x108;
	_ =	swait.ge @!p0 [sflag:s8], $0x0  }
0x24: {  	s3 =	sadd.s32 $0x88, s3;
	s6 =	simm.s32 @!p1 $0x1082;
	[sflag:s4] =	ssyncset.s32 $0xFFFFF086  }
0x25: {  	[simem:s6], [sflag:s4] =	dma.local [hbm:s3], $0xF7A  }
0x26: {  	[smem:$0x3F97] =	sst s1;
	(tag) =	ssettag s2;
	_ =	strace s9  }
0x27: {  	s1 =	sld [smem:$0x3FA7]  }
0x28: {  	s2 =	sld [smem:$0x3FA8]  }
0x29: {  	s4 =	sld [smem:$0x3FAA]  }
0x2a: {  	p0 =	seq.s32 s5, $0x0;
	s5 =	sld [smem:$0x3FAB]  }
0x2b: {  	s6 =	sld [smem:$0x3FAC]  }
0x2c: {  	s7 =	sld [smem:$0x3FAD]  }
0x2d: {  	s3 =	simm.s32 $0x108;
	s8 =	sld [smem:$0x3FAE]  }
0x2e: {  	s3 =	simm.s32 @!p0 $0x1082;
	s9 =	sld [smem:$0x3FAF]  }
0x2f: {  	lr =	sadd.s32 s0, s3;
	s0 =	sld [smem:$0x3FA6]  }
0x30: {  	s3 =	sld [smem:$0x3FA9]  }
0x31: {  	[smem:$0x3FB2] =	sst s10  }
0x32: {  	s10 =	sld [smem:$0x3FB0];
	_ =	sdelay $0x3  }
0x33: {  	p0 =	seq.s32 s10, $0x1;
	s10 =	sld [smem:$0x3FB2];
	_ =	sdelay $0x3  }
0x34: {  	[smem:$0x3FB2] =	sst s10  }
0x35: {  	s10 =	sld [smem:$0x3FB1];
	_ =	sdelay $0x3  }
0x36: {  	p1 =	seq.s32 s10, $0x1;
	s10 =	sld [smem:$0x3FB2];
	_ =	sdelay $0x3  }
0x37: {  	[smem:$0x3FB2] =	sst s10  }
0x38: {  	s10 =	sld [smem:$0x3FB3]  }
0x39: {  	_ = 	snop;
	(pc) =	sbr.ind lr, $3  }
0x3a: {  	_ = 	snop  }
0x3b: {  	_ = 	snop  }
0x3c: {  	p2 =	seq.s32 s10, $0x1;
	s10 =	sld [smem:$0x3FB2]  }
0x3d: {  	_ =	shalt  }
0x3e: {  	_ =	shalt  }
0x3f: {  	_ =	shalt  }
0x40: {  	_ =	shalt  }
0x41: {  	_ =	shalt  }
0x42: {  	_ =	shalt  }
0x43: {  	_ =	shalt  }
0x44: {  	_ =	shalt  }
0x45: {  	_ =	shalt  }
0x46: {  	_ =	shalt  }
0x47: {  	_ =	shalt  }
0x48: {  	_ =	shalt  }
0x49: {  	_ =	shalt  }
0x4a: {  	_ =	shalt  }
0x4b: {  	_ =	shalt  }
0x4c: {  	_ =	shalt  }
0x4d: {  	_ =	shalt  }
0x4e: {  	_ =	shalt  }
0x4f: {  	_ =	shalt  }
0x50: {  	_ =	shalt  }
0x51: {  	_ =	shalt  }
0x52: {  	_ =	shalt  }
0x53: {  	_ =	shalt  }
0x54: {  	_ =	shalt  }
0x55: {  	_ =	shalt  }
0x56: {  	_ =	shalt  }
0x57: {  	_ =	shalt  }
0x58: {  	_ =	shalt  }
0x59: {  	_ =	shalt  }
0x5a: {  	_ =	shalt  }
0x5b: {  	_ =	shalt  }
0x5c: {  	_ =	shalt  }
0x5d: {  	_ =	shalt  }
0x5e: {  	_ =	shalt  }
0x5f: {  	_ =	shalt  }
0x60: {  	_ =	shalt  }
0x61: {  	_ =	shalt  }
0x62: {  	_ =	shalt  }
0x63: {  	_ =	shalt  }
0x64: {  	_ =	shalt  }
0x65: {  	_ =	shalt  }
0x66: {  	_ =	shalt  }
0x67: {  	_ =	shalt  }
0x68: {  	_ =	shalt  }
0x69: {  	_ =	shalt  }
0x6a: {  	_ =	shalt  }
0x6b: {  	_ =	shalt  }
0x6c: {  	_ =	shalt  }
0x6d: {  	_ =	shalt  }
0x6e: {  	_ =	shalt  }
0x6f: {  	_ =	shalt  }
0x70: {  	_ =	shalt  }
0x71: {  	_ =	shalt  }
0x72: {  	_ =	shalt  }
0x73: {  	_ =	shalt  }
0x74: {  	_ =	shalt  }
0x75: {  	_ =	shalt  }
0x76: {  	_ =	shalt  }
0x77: {  	_ =	shalt  }
0x78: {  	_ =	shalt  }
0x79: {  	_ =	shalt  }
0x7a: {  	_ =	shalt  }
0x7b: {  	_ =	shalt  }
0x7c: {  	_ =	shalt  }
0x7d: {  	_ =	shalt  }
0x7e: {  	_ =	shalt  }
0x7f: {  	_ =	shalt  }
0x80: {  	_ =	shalt  }
0x81: {  	_ =	shalt  }
0x82: {  	_ =	shalt  }
0x83: {  	_ =	shalt  }
0x84: {  	_ =	shalt  }
0x85: {  	_ =	shalt  }
0x86: {  	_ =	shalt  }
0x87: {  	_ =	shalt  }
.Lfunc_end0:
.L_simem_size_0:
called_computation_lowered:
.L_overlay_start_0:
0x88: {  	s2 =	sld [smem:$0x3FD9]  }
0x89: {  	s3 =	sld [smem:$0x3FFE];
	_ =	sdelay $0x1  }
0x8a: {  	s1 =	srdreg.scid  }
0x8b: {  	s0 =	sand.u32 $0x1, s1  }
0x8c: {  	s16 =	sshll.u32 s0, $0xA;
	s2 =	sadd.s32 s3, s2  }
0x8d: {  	s2 =	sadd.s32 s2, s16  }
0x8e: {  	[smem:$0x3FBE] =	sst s2  }
0x8f: {  	_ = 	snop  }
0x90: {  	(tm) =	ssettm $0x1  }
0x91: {  	s17 =	sld [smem:$0x3FFB];
	_ =	sdelay $0x3  }
0x92: {  	_ =	strace s17  }
0x93: {  	s2 =	sld [smem:$0x3FFC];
	_ =	sdelay $0x3  }
0x94: {  	_ =	strace s2  }
0x95: {  	s2 =	sld [smem:$0x3FFD];
	_ =	sdelay $0x3  }
0x96: {  	_ =	strace s2  }
0x97: {  	_ =	strace $0x8FFFFFFF  }
0x98: {  	s18 =	sld [smem:$0x3FDB];
	_ =	sdelay $0x1  }
0x99: {  	s19 =	simm.s32 $_scs_section_size  }
0x9a: {  	s4 =	simm.s32 $_size__tile_overlayer_lowered;
	s5 =	simm.s32 $_tile_overlayer_lowered  }
0x9b: {  	s22 =	simm.s32 $0x1BFF;
	s21 =	sshll.u32 s5, $0x1;
	s2 =	sadd.s32 s19, s18  }
0x9c: {  	s6 =	simm.s32 $0x0;
	s20 =	sshll.u32 s4, $0x1;
	s4 =	sadd.s32 s21, s2  }
0x9d: {  	[timem:s6], [sflag:s22] =	dma.local [hbm:s4], s20  }
0x9e: {  	_ =	swait.ge [sflag:s22], s20  }
0x9f: {  	s3 =	ssub.s32 $0x0, s20;
	[sflag:s22] =	ssyncset.done $0x0  }
0xa0: {  	[sflag:s22] =	ssyncadd.s32 s3;
	_ =	sdelay $0x1  }
0xa1: {  	s23 =	simm.s32 $0x1B8B  }
0xa2: {  	_ =	swait.ge [sflag:s23], $0x1  }
0xa3: {  	[sflag:s23] =	ssyncset.done $0x0  }
0xa4: {  	s25 =	simm.s32 $0x1B8E;
	s24 =	sld [smem:$0x3FFE];
	[sflag:s23] =	ssyncadd.s32 $0xFFFFFFFF  }
0xa5: {  	s26 =	simm.s32 $execute0_lowered;
	[smem:$0x3FD2] =	sst s25  }
0xa6: {  	s4 =	sshll.u32 s26, $0x1;
	_ =	strace $0x80000046;
	[dreg:$0x1] =	wrdreg $0xFFFFFFFF  }
0xa7: {  	s28 =	simm.s32 $_size_execute0_lowered;
	s2 =	sadd.s32 s2, s4;
	[dreg:$0x0] =	wrdreg $0x0  }
0xa8: {  	s4 =	sshll.u32 s28, $0x1;
	[dreg:$0x2] =	wrdreg s2  }
0xa9: {  	[dreg:$0x3] =	wrdreg s4  }
0xaa: {  	[dreg:$0x4] =	wrdreg $0xC0  }
0xab: {  	_ =	task [dreg:s6], $0x5FFFF  }
0xac: {  	[dreg:$0x1] =	wrdreg $0xFFFFFFFF  }
0xad: {  	[dreg:$0x0] =	wrdreg $0x60  }
0xae: {  	[dreg:$0x2] =	wrdreg s24  }
0xaf: {  	[dreg:$0x3] =	wrdreg $0x9  }
0xb0: {  	_ =	task.clear_ibuf [dreg:s6], $0x4FFFF;
	_ =	strace $0x90000046  }
0xb1: {  	s29 =	simm.s32 $0x9;
	_ =	strace $0x80000048  }
0xb2: {  	_ =	swait.ge [sflag:s29], $0x1  }
0xb3: {  	[sflag:s29] =	ssyncadd.s32 $0xFFFFFFFF  }
0xb4: {  	_ =	strace $0x90000048  }
0xb5: {  	_ =	sfence  }
0xb6: {  	s30 =	sld [smem:$0x0];
	_ =	sdelay $0x2  }
0xb7: {  	s31 =	sshll.u32 s1, $0xD;
	s1 =	sshrl.u32 s1, $0x2  }
0xb8: {  	s3 =	sand.u32 $0x4000, s31;
	s1 =	sadd.s32 s1, s30  }
0xb9: {  	s0 =	sor.u32 s3, s0;
	s1 =	sshll.u32 s1, $0x11  }
0xba: {  	s0 =	sor.u32 s1, s0  }
0xbb: {  	s0 =	sadd.s32 $0x8F2B, s0  }
0xbc: {  	[sflag:s0] =	ssyncadd.remote.s32 $0x1  }
0xbd: {  	_ =	sfence.sel $0xFFFF  }
0xbe: {  	[dreg:$0x0] =	wrdreg $0xFFFFFFFF;
	(pc) =	sbr.abs _section_cstart, $3  }
0xbf: {  	[dreg:$0x1] =	wrdreg $0xFFFFFFFF  }
0xc0: {  	_ =	task.clear_ibuf [dreg:s6], $0x2FFFF;
	_ =	strace $0x9FFFFFFF  }
0xc1: {  	(tm) =	ssettm $0x7FFFFFFF  }
tec
execute0_lowered:
.L_overlay_start_1:
0x0: {  	(tag) =	ssettag $0x1  }
0x1: {  	s4 =	rddreg [dreg:$0x0]  }
0x2: {  	s0 =	rddreg [dreg:$0x1];
	s3 =	srdreg.scid  }
0x3: {  	s1 =	stileid.u32;
	s2 =	simm.s32 $0x0;
	s11 =	simm.s32 $0x100  }
0x4: {  	s12 =	simm.s32 $0x9900;
	s13 =	simm.s32 $0x180;
	s14 =	simm.s32 $0xD900  }
0x5: {  	s15 =	simm.s32 $0x200;
	s16 =	simm.s32 $0x11900;
	s17 =	simm.s32 $0x2  }
0x6: {  	s18 =	simm.s32 $0x7;
	s19 =	simm.s32 $0x3;
	s20 =	simm.s32 $0x4  }
0x7: {  	s21 =	simm.s32 $0x5;
	s22 =	simm.s32 $0x6;
	s23 =	simm.s32 $0x0  }
0x8: {  	s5 =	sand.u32 $0x1, s3;
	s28 =	sshll.u32 s1, $0x1;
	s7 =	smul.u32 $0x32000, s1  }
0x9: {  	[smem:$0x7FF] =	sst s2;
	s3 =	sor.u32 s5, s28;
	s10 =	smul.u32 $0x19000, s5  }
0xa: {  	_ =	strace $0x80000047;
	s8 =	ssub.s32 $0x2, s5;
	s6 =	smul.u32 $0x1900, s3  }
.Ltmp0:
0xb: {  	s3 =	sadd.s32 $0xF43E00, s4;
	s9 =	sshrl.u32 s8, $0x1;
	(pc) =	sbr.rel .LBB2_1-.Ltmp0, $4  }
0xc: {  	s30 =	sadd.s32 s7, s4;
	s7 =	simm.s32 $0x1;
	s31 =	ssub.s32 s8, s9  }
0xd: {  	s8 =	simm.s32 $0x80;
	s9 =	simm.s32 $0x1900;
	s6 =	sshrl.u32 s6, $0x3  }
0xe: {  	s5 =	smax.u32 s31, $0x1;
	s29 =	sadd.s32 s6, s4;
	s6 =	sadd.s32 s10, s30  }
0xf: {  	s10 =	simm.s32 $0x5900;
	s4 =	sadd.s32 $0x1A00, s29;
	s6 =	sadd.s32 $0x9E00, s6  }
.LBB2_4:
0x10: {  	s23 =	sadd.s32 $0x1, s23  }
0x11: {  	p0 =	sne.s32 s23, s5  }
.Ltmp1:
0x12: {  	_ = 	snop;
	(pc) =	sbr.rel @!p0 .LBB2_5-.Ltmp1, $1  }
0x13: {  	_ =	sdelay $0x3  }
.LBB2_1:
0x14: {  	[tilespmem:s2], [sflag:$0x1] =	stream.linear.gather [hbm4b:s4+s2], $0x1900, $0x38;
	[tilespmem:$0x15900] =	vst v63  }
0x15: {  	_ =	swait.ge [sflag:s7], $0x1900  }
0x16: {  	[sflag:s7] =	ssyncset.done $0x0  }
0x17: {  	[sflag:s7] =	ssyncadd.s32 $0xFFFFE700  }
0x18: {  	[tilespmem:s9], [sflag:$0x2] =	stream.indirect.gather [hbm4b:s3+s8], $0x80, s2, s8, $0xb8;
	[tilespmem:$0x15900] =	vst v63  }
0x19: {  	_ = 	snop  }
0x1a: {  	[tilespmem:s10], [sflag:$0x3] =	stream.indirect.gather [hbm4b:s3+s8], $0x80, s8, s8, $0xb8;
	[tilespmem:$0x15900] =	vst v63  }
0x1b: {  	_ = 	snop  }
0x1c: {  	[tilespmem:s12], [sflag:$0x4] =	stream.indirect.gather [hbm4b:s3+s8], $0x80, s11, s8, $0xb8;
	[tilespmem:$0x15900] =	vst v63  }
0x1d: {  	_ = 	snop  }
0x1e: {  	[tilespmem:s14], [sflag:$0x5] =	stream.indirect.gather [hbm4b:s3+s8], $0x80, s13, s8, $0xb8;
	[tilespmem:$0x15900] =	vst v63  }
0x1f: {  	s24 =	smov.u32 s6;
	s25 =	simm.s32 $0x0  }
0x20: {  	[tilespmem:s16], [sflag:$0x6] =	stream.indirect.gather [hbm4b:s3+s8], $0x80, s15, s8, $0xb8;
	[tilespmem:$0x15900] =	vst v63  }
.LBB2_2:
0x21: {  	_ =	swait.ge [sflag:s17], $0x4000  }
0x22: {  	[sflag:s17] =	ssyncset.done $0x0  }
0x23: {  	s26 =	sadd.s32 $0xFFFFE000, s24;
	[sflag:s17] =	ssyncadd.s32 $0xFFFFC000  }
0x24: {  	[hbm4b:s26+s2] =	stream.linear.scatter [tilespmem:s9], [sflag:$0x7], $0x4000, $0x38;
	[tilespmem:$0x15900] =	vst v63  }
0x25: {  	p0 =	seq.s32 s25, $0x5A00;
	_ =	swait.ge [sflag:s18], $0x4000  }
0x26: {  	s29 =	simm.s32 @!p0 $0x80;
	s26 =	sshra.s32 @!p0 s25, $0x2;
	[sflag:s18] =	ssyncset.done $0x0  }
0x27: {  	s30 =	simm.s32 @!p0 $0x1900;
	s28 =	sadd.s32 @!p0 $0x280, s26;
	[sflag:s18] =	ssyncadd.s32 $0xFFFFC000  }
0x28: {  	[tilespmem:s30], [sflag:$0x2] =	stream.indirect.gather @!p0 [hbm4b:s3+s29], $0x80, s28, s29, $0xb8;
	[tilespmem:$0x15900] =	vst v63  }
0x29: {  	_ =	swait.ge [sflag:s19], $0x4000  }
0x2a: {  	[sflag:s19] =	ssyncset.done $0x0  }
0x2b: {  	s31 =	sadd.s32 $0xFFFFE800, s24;
	[sflag:s19] =	ssyncadd.s32 $0xFFFFC000  }
0x2c: {  	[hbm4b:s31+s2] =	stream.linear.scatter [tilespmem:s10], [sflag:$0x7], $0x4000, $0x38;
	[tilespmem:$0x15900] =	vst v63  }
0x2d: {  	_ =	swait.ge [sflag:s18], $0x4000  }
0x2e: {  	[sflag:s18] =	ssyncset.done $0x0  }
0x2f: {  	s28 =	sadd.s32 @!p0 $0x300, s26;
	s30 =	simm.s32 @!p0 $0x5900;
	[sflag:s18] =	ssyncadd.s32 $0xFFFFC000  }
0x30: {  	[tilespmem:s30], [sflag:$0x3] =	stream.indirect.gather @!p0 [hbm4b:s3+s29], $0x80, s28, s29, $0xb8;
	[tilespmem:$0x15900] =	vst v63  }
0x31: {  	_ =	swait.ge [sflag:s20], $0x4000  }
0x32: {  	[sflag:s20] =	ssyncset.done $0x0  }
0x33: {  	s30 =	sadd.s32 $0xFFFFF000, s24;
	[sflag:s20] =	ssyncadd.s32 $0xFFFFC000  }
0x34: {  	[hbm4b:s30+s2] =	stream.linear.scatter [tilespmem:s12], [sflag:$0x7], $0x4000, $0x38;
	[tilespmem:$0x15900] =	vst v63  }
0x35: {  	_ =	swait.ge [sflag:s18], $0x4000  }
0x36: {  	[sflag:s18] =	ssyncset.done $0x0  }
0x37: {  	s28 =	sadd.s32 @!p0 $0x380, s26;
	s30 =	simm.s32 @!p0 $0x9900;
	[sflag:s18] =	ssyncadd.s32 $0xFFFFC000  }
0x38: {  	[tilespmem:s30], [sflag:$0x4] =	stream.indirect.gather @!p0 [hbm4b:s3+s29], $0x80, s28, s29, $0xb8;
	[tilespmem:$0x15900] =	vst v63  }
0x39: {  	_ =	swait.ge [sflag:s21], $0x4000  }
0x3a: {  	[sflag:s21] =	ssyncset.done $0x0  }
0x3b: {  	s31 =	sadd.s32 $0xFFFFF800, s24;
	[sflag:s21] =	ssyncadd.s32 $0xFFFFC000  }
0x3c: {  	[hbm4b:s31+s2] =	stream.linear.scatter [tilespmem:s14], [sflag:$0x7], $0x4000, $0x38;
	[tilespmem:$0x15900] =	vst v63  }
0x3d: {  	_ =	swait.ge [sflag:s18], $0x4000  }
0x3e: {  	[sflag:s18] =	ssyncset.done $0x0  }
0x3f: {  	s26 =	sadd.s32 @!p0 $0x400, s26;
	s28 =	simm.s32 @!p0 $0xD900;
	[sflag:s18] =	ssyncadd.s32 $0xFFFFC000  }
0x40: {  	[tilespmem:s28], [sflag:$0x5] =	stream.indirect.gather @!p0 [hbm4b:s3+s29], $0x80, s26, s29, $0xb8;
	[tilespmem:$0x15900] =	vst v63  }
0x41: {  	_ =	swait.ge [sflag:s22], $0x4000  }
0x42: {  	[sflag:s22] =	ssyncset.done $0x0  }
.Ltmp2:
0x43: {  	[sflag:s22] =	ssyncadd.s32 $0xFFFFC000;
	(pc) =	sbr.rel @p0 .LBB2_4-.Ltmp2, $4  }
0x44: {  	[hbm4b:s24+s2] =	stream.linear.scatter [tilespmem:s16], [sflag:$0x7], $0x4000, $0x38;
	[tilespmem:$0x15900] =	vst v63  }
0x45: {  	_ =	swait.ge [sflag:s18], $0x4000  }
0x46: {  	[sflag:s18] =	ssyncset.done $0x0  }
0x47: {  	[sflag:s18] =	ssyncadd.s32 $0xFFFFC000  }
.Ltmp3:
0x48: {  	(pc) =	sbr.rel .LBB2_2-.Ltmp3, $4  }
0x49: {  	_ = 	snop  }
0x4a: {  	s26 =	sshra.s32 s25, $0x2  }
0x4b: {  	s25 =	sadd.s32 $0xA00, s25;
	s24 =	sadd.s32 $0x2800, s24;
	s26 =	sadd.s32 $0x480, s26  }
0x4c: {  	[tilespmem:s16], [sflag:$0x6] =	stream.indirect.gather [hbm4b:s3+s8], $0x80, s26, s8, $0xb8;
	[tilespmem:$0x15900] =	vst v63  }
.LBB2_5:
0x4d: {  	_ =	sfence.sel $0x180000  }
0x4e: {  	[bflag:$0x0] =	sbarrier.arrive $0xFFFF  }
0x4f: {  	p0 =	sne.s32 s1, $0x0;
	_ =	strace $0x90000047  }
0x50: {  	s0 =	sadd.s32 @!p0 $0x100000, s0;
	[bflag:$0x2] =	sbarrier.arrive $0xFFFF  }
0x51: {  	[sflag:s0] =	ssyncadd.tile.s32 @!p0 $0x1;
	_ =	shalt  }
.Lfunc_end2:
_tile_overlayer_lowered:
.L_overlay_start_2:
0x52: {  	(tag) =	ssettag $0x2  }
0x53: {  	s0 =	rddreg [dreg:$0x0];
	s2 =	stileid.u32  }
0x54: {  	s1 =	rddreg [dreg:$0x1];
	p0 =	sne.s32 s2, $0x0  }
0x55: {  	s3 =	rddreg [dreg:$0x2];
	[bflag:$0x3] =	sbarrier.arrive $0xFFFF;
	s2 =	simm.s32 @!p0 $0x1C07  }
0x56: {  	[timem:s3], [sflag:s2] =	dma.local @!p0 [hbm:s0], s1  }
0x57: {  	s0 =	simm.s32 @!p0 $0x7  }
0x58: {  	_ =	swait.ge @!p0 [sflag:s0], s1  }
0x59: {  	s1 =	ssub.s32 @!p0 $0x0, s1;
	[sflag:s0] =	ssyncset.done @!p0 $0x0  }
0x5a: {  	[sflag:s0] =	ssyncadd.s32 @!p0 s1  }
0x5b: {  	[bflag:$0x3] =	sbarrier.arrive $0xFFFF  }
0x5c: {  	_ =	shalt  }

</sc_bundles>
